<compile_context>
chip_gen: v7x
topology: tpu7x:2x2x1
jax: 0.10.2.dev20260603
libtpu: 0.0.44.dev20260713+nightly
codegen_flags: <defaults>
</compile_context>

<pallas_src>
import functools

import jax
import jax.numpy as jnp
from jax import lax
from jax.experimental import pallas as pl
from jax.experimental.pallas import tpu as pltpu
from jax.experimental.pallas import tpu_sc as plsc

N_GENES = 100000
D = 64
B = 4096
L = 200
EPS = 1e-5

BL = B * L
NC = 2
NS = 16
NW = NC * NS
PW = BL // NW
CH = 128
NCHUNK = PW // CH
UNROLL = 8


def _rsqrt_newton(x):
    i = lax.bitcast_convert_type(x, jnp.int32)
    i = jnp.int32(0x5F3759DF) - (i >> 1)
    y = lax.bitcast_convert_type(i, jnp.float32)
    for _ in range(3):
        y = y * (jnp.float32(1.5) - jnp.float32(0.5) * x * y * y)
    return y


def _sc_body(x_hbm, table_hbm, gamma_hbm, beta_hbm, out_hbm,
             idx_v, rows_v, g_v, b_v, sem):
    wid = lax.axis_index("s") * NC + lax.axis_index("c")

    pltpu.sync_copy(x_hbm.at[wid], idx_v)
    pltpu.sync_copy(gamma_hbm, g_v)
    pltpu.sync_copy(beta_hbm, b_v)
    g = [g_v[pl.ds(16 * k, 16)] for k in range(4)]
    bta = [b_v[pl.ds(16 * k, 16)] for k in range(4)]
    inv_d = jnp.float32(1.0 / D)

    def chunk_body(c, carry):
        pltpu.async_copy(table_hbm.at[idx_v.at[c]], rows_v, sem).wait()

        @plsc.parallel_loop(0, CH, unroll=UNROLL)
        def row_body(r):
            v = [rows_v[r, pl.ds(16 * k, 16)] for k in range(4)]
            s = (v[0] + v[1]) + (v[2] + v[3])
            s2 = (v[0] * v[0] + v[1] * v[1]) + (v[2] * v[2] + v[3] * v[3])
            mean = jnp.sum(s) * inv_d
            var = jnp.sum(s2) * inv_d - mean * mean
            rstd = _rsqrt_newton(var + jnp.float32(EPS))
            for k in range(4):
                rows_v[r, pl.ds(16 * k, 16)] = (v[k] - mean) * rstd * g[k] + bta[k]

        base = pl.multiple_of((wid * NCHUNK + c) * CH, CH)
        pltpu.sync_copy(rows_v, out_hbm.at[pl.ds(base, CH)])
        return carry

    lax.fori_loop(0, NCHUNK, chunk_body, 0)


@jax.jit
def kernel(x, table, gamma, beta):
    xw = x.astype(jnp.int32).reshape(NW, NCHUNK, CH)
    mesh = plsc.VectorSubcoreMesh(core_axis_name="c", subcore_axis_name="s")
    run = functools.partial(
        pl.kernel,
        mesh=mesh,
        out_type=jax.ShapeDtypeStruct((BL, D), jnp.float32),
        scratch_types=[
            pltpu.VMEM((NCHUNK, CH), jnp.int32),
            pltpu.VMEM((CH, D), jnp.float32),
            pltpu.VMEM((D,), jnp.float32),
            pltpu.VMEM((D,), jnp.float32),
            pltpu.SemaphoreType.DMA,
        ],
        compiler_params=pltpu.CompilerParams(
            needs_layout_passes=False, use_tc_tiling_on_sc=False),
    )(_sc_body)
    out = run(xw, table, gamma, beta)
    return out.reshape(B, L, D)

# --- scband reference (transcript-rebuilt; emitter-appended) ---
"""Pipeline reference for scband-gene-encoder-37606733644198 (READ-ONLY COPY).

The authoritative reference and input builder live on the scoring server;
editing this copy changes nothing except your own understanding.
"""

import jax, jax.numpy as jnp
import numpy as np

N_GENES = 100000
EMB_DIM = 64
B = 4096
L = 200
EPS = 1e-5


def setup_inputs(seed: int = 0) -> dict:
    key = jax.random.key(seed)
    k_idx, k_tab, k_g, k_b = jax.random.split(key, 4)
    x = jax.random.randint(k_idx, (B, L), 0, N_GENES, dtype=jnp.int64)
    table = jax.random.normal(k_tab, (N_GENES, EMB_DIM), dtype=jnp.float32)
    gamma = jnp.ones((EMB_DIM,), dtype=jnp.float32)
    beta = jnp.zeros((EMB_DIM,), dtype=jnp.float32)
    return {"x": x, "table": table, "gamma": gamma, "beta": beta}


def reference(x, table, gamma, beta):
    # embedding lookup (gather)
    emb = jnp.take(table, x, axis=0)  # [B, L, EMB_DIM]
    # LayerNorm over last dim
    mean = jnp.mean(emb, axis=-1, keepdims=True)
    var = jnp.mean(jnp.square(emb - mean), axis=-1, keepdims=True)
    normed = (emb - mean) / jnp.sqrt(var + EPS)
    out = normed * gamma + beta
    return out

if __name__ == "__main__":
    import jax
    _d = setup_inputs()
    print(jax.jit(kernel)(*tuple(_d.values())))

</pallas_src>

<mosaic_0001>
#map = affine_map<(d0, d1) -> (0, 0, 0)>
#map1 = affine_map<(d0, d1) -> (0, 0)>
#map2 = affine_map<(d0, d1) -> (0)>
module attributes {stable_mosaic.version = 14 : i64} {
  func.func @_sc_body(%arg0: i32, %arg1: i32, %arg2: memref<32x200x128xi32, #tpu.memory_space<hbm>>, %arg3: memref<100000x64xf32, #tpu.memory_space<hbm>>, %arg4: memref<64xf32, #tpu.memory_space<hbm>>, %arg5: memref<64xf32, #tpu.memory_space<hbm>>, %arg6: memref<819200x64xf32, #tpu.memory_space<hbm>>, %arg7: memref<200x128xi32, #tpu.memory_space<vmem>>, %arg8: memref<128x64xf32, #tpu.memory_space<vmem>>, %arg9: memref<64xf32, #tpu.memory_space<vmem>>, %arg10: memref<64xf32, #tpu.memory_space<vmem>>, %arg11: memref<!tpu.dma_semaphore, #tpu.memory_space<semaphore_mem>>) attributes {dimension_semantics = [#tpu.dimension_semantics<core_parallel>, #tpu.dimension_semantics<subcore_parallel>], iteration_bounds = array<i64: 2, 16>, scalar_prefetch = 0 : i64, scratch_operands = 5 : i64, tpu.core_type = #tpu.core_type<sc_vector_subcore>, window_params = [{transform_indices = #map}, {transform_indices = #map1}, {transform_indices = #map2}, {transform_indices = #map2}, {transform_indices = #map1}]} {
    %mul3A = arith.constant 2 : i32
    %mul3A_0 = arith.muli %arg1, %mul3A : i32
    %add3A = arith.addi %mul3A_0, %arg0 : i32
    "tpu.region"() ({
      %run_scoped3A = tpu.sem_alloc : memref<!tpu.dma_semaphore, #tpu.memory_space<semaphore_mem>>
      %dma_start3A = arith.constant 0 : i32
      %dma_start3A_22 = arith.constant 0 : i32
      %dma_start3A_23 = tpu.memref_slice %arg2[%add3A, %dma_start3A, %dma_start3A_22] : memref<32x200x128xi32, #tpu.memory_space<hbm>> -> memref<1x200x128xi32, #tpu.memory_space<hbm>>
      %dma_start3A_24 = tpu.memref_squeeze %dma_start3A_23 : memref<1x200x128xi32, #tpu.memory_space<hbm>> -> memref<200x128xi32, #tpu.memory_space<hbm>>
      %dma_start3A_25 = arith.constant 0 : i32
      %dma_start3A_26 = arith.constant 0 : i32
      %dma_start3A_27 = tpu.memref_slice %arg2[%add3A, %dma_start3A_25, %dma_start3A_26] : memref<32x200x128xi32, #tpu.memory_space<hbm>> -> memref<1x200x128xi32, #tpu.memory_space<hbm>>
      %dma_start3A_28 = tpu.memref_squeeze %dma_start3A_27 : memref<1x200x128xi32, #tpu.memory_space<hbm>> -> memref<200x128xi32, #tpu.memory_space<hbm>>
      tpu.enqueue_dma source(%dma_start3A_28 : memref<200x128xi32, #tpu.memory_space<hbm>>) target(%arg7 : memref<200x128xi32, #tpu.memory_space<vmem>>) target_semaphore(%run_scoped3A : memref<!tpu.dma_semaphore, #tpu.memory_space<semaphore_mem>>)
      %dma_wait3A = arith.constant 0 : i32
      %dma_wait3A_29 = arith.constant 0 : i32
      %dma_wait3A_30 = tpu.memref_slice %arg2[%add3A, %dma_wait3A, %dma_wait3A_29] : memref<32x200x128xi32, #tpu.memory_space<hbm>> -> memref<1x200x128xi32, #tpu.memory_space<hbm>>
      %dma_wait3A_31 = tpu.memref_squeeze %dma_wait3A_30 : memref<1x200x128xi32, #tpu.memory_space<hbm>> -> memref<200x128xi32, #tpu.memory_space<hbm>>
      %dma_wait3A_32 = arith.constant 0 : i32
      %dma_wait3A_33 = arith.constant 0 : i32
      %dma_wait3A_34 = tpu.memref_slice %arg2[%add3A, %dma_wait3A_32, %dma_wait3A_33] : memref<32x200x128xi32, #tpu.memory_space<hbm>> -> memref<1x200x128xi32, #tpu.memory_space<hbm>>
      %dma_wait3A_35 = tpu.memref_squeeze %dma_wait3A_34 : memref<1x200x128xi32, #tpu.memory_space<hbm>> -> memref<200x128xi32, #tpu.memory_space<hbm>>
      tpu.wait_dma2 semaphore(%run_scoped3A : memref<!tpu.dma_semaphore, #tpu.memory_space<semaphore_mem>>) src(%dma_wait3A_35 : memref<200x128xi32, #tpu.memory_space<hbm>>) dst(%arg7 : memref<200x128xi32, #tpu.memory_space<vmem>>)
      tpu.yield
    }) : () -> ()
    "tpu.region"() ({
      %run_scoped3A = tpu.sem_alloc : memref<!tpu.dma_semaphore, #tpu.memory_space<semaphore_mem>>
      tpu.enqueue_dma source(%arg4 : memref<64xf32, #tpu.memory_space<hbm>>) target(%arg9 : memref<64xf32, #tpu.memory_space<vmem>>) target_semaphore(%run_scoped3A : memref<!tpu.dma_semaphore, #tpu.memory_space<semaphore_mem>>)
      tpu.wait_dma2 semaphore(%run_scoped3A : memref<!tpu.dma_semaphore, #tpu.memory_space<semaphore_mem>>) src(%arg4 : memref<64xf32, #tpu.memory_space<hbm>>) dst(%arg9 : memref<64xf32, #tpu.memory_space<vmem>>)
      tpu.yield
    }) : () -> ()
    "tpu.region"() ({
      %run_scoped3A = tpu.sem_alloc : memref<!tpu.dma_semaphore, #tpu.memory_space<semaphore_mem>>
      tpu.enqueue_dma source(%arg5 : memref<64xf32, #tpu.memory_space<hbm>>) target(%arg10 : memref<64xf32, #tpu.memory_space<vmem>>) target_semaphore(%run_scoped3A : memref<!tpu.dma_semaphore, #tpu.memory_space<semaphore_mem>>)
      tpu.wait_dma2 semaphore(%run_scoped3A : memref<!tpu.dma_semaphore, #tpu.memory_space<semaphore_mem>>) src(%arg5 : memref<64xf32, #tpu.memory_space<hbm>>) dst(%arg10 : memref<64xf32, #tpu.memory_space<vmem>>)
      tpu.yield
    }) : () -> ()
    %get3A = arith.constant 0 : index
    %get3A_1 = tpu.vector_load %arg9[%get3A] {strides = array<i32>} : memref<64xf32, #tpu.memory_space<vmem>>, vector<16xf32>,
    %get3A_2 = arith.constant 16 : index
    %get3A_3 = tpu.vector_load %arg9[%get3A_2] {strides = array<i32>} : memref<64xf32, #tpu.memory_space<vmem>>, vector<16xf32>,
    %get3A_4 = arith.constant 32 : index
    %get3A_5 = tpu.vector_load %arg9[%get3A_4] {strides = array<i32>} : memref<64xf32, #tpu.memory_space<vmem>>, vector<16xf32>,
    %get3A_6 = arith.constant 48 : index
    %get3A_7 = tpu.vector_load %arg9[%get3A_6] {strides = array<i32>} : memref<64xf32, #tpu.memory_space<vmem>>, vector<16xf32>,
    %get3A_8 = arith.constant 0 : index
    %get3A_9 = tpu.vector_load %arg10[%get3A_8] {strides = array<i32>} : memref<64xf32, #tpu.memory_space<vmem>>, vector<16xf32>,
    %get3A_10 = arith.constant 16 : index
    %get3A_11 = tpu.vector_load %arg10[%get3A_10] {strides = array<i32>} : memref<64xf32, #tpu.memory_space<vmem>>, vector<16xf32>,
    %get3A_12 = arith.constant 32 : index
    %get3A_13 = tpu.vector_load %arg10[%get3A_12] {strides = array<i32>} : memref<64xf32, #tpu.memory_space<vmem>>, vector<16xf32>,
    %get3A_14 = arith.constant 48 : index
    %get3A_15 = tpu.vector_load %arg10[%get3A_14] {strides = array<i32>} : memref<64xf32, #tpu.memory_space<vmem>>, vector<16xf32>,
    %scan3A = arith.constant 0 : i32
    %scan3A_16 = arith.constant 1.562500e-02 : f32
    %scan3A_17 = arith.constant 0 : i32
    %scan3A_18 = arith.constant 200 : i32
    %scan3A_19 = arith.addi %scan3A_17, %scan3A_18 : i32
    %scan3A_20 = arith.constant 1 : i32
    scf.for %scan3A_22 = %scan3A_17 to %scan3A_19 step %scan3A_20  : i32 {
      %dma_start3A = arith.constant 0 : i32
      %dma_start3A_23 = tpu.memref_slice %arg7[%scan3A_22, %dma_start3A] : memref<200x128xi32, #tpu.memory_space<vmem>> -> memref<1x128xi32, #tpu.memory_space<vmem>>
      %dma_start3A_24 = tpu.memref_squeeze %dma_start3A_23 : memref<1x128xi32, #tpu.memory_space<vmem>> -> memref<128xi32, #tpu.memory_space<vmem>>
      %dma_start3A_25 = arith.constant 0 : i32
      %dma_start3A_26 = arith.constant 0 : i32
      %dma_start3A_27 = tpu.memref_slice %arg3[%dma_start3A_25, %dma_start3A_26] : memref<100000x64xf32, #tpu.memory_space<hbm>> -> memref<100000x64xf32, #tpu.memory_space<hbm>>
      tpu.enqueue_indirect_dma source(%dma_start3A_27 : memref<100000x64xf32, #tpu.memory_space<hbm>>) target(%arg8 : memref<128x64xf32, #tpu.memory_space<vmem>>) offsets(%dma_start3A_24 : memref<128xi32, #tpu.memory_space<vmem>>) semaphore(%arg11 : memref<!tpu.dma_semaphore, #tpu.memory_space<semaphore_mem>>)
      %dma_wait3A = arith.constant 0 : i32
      %dma_wait3A_28 = tpu.memref_slice %arg7[%scan3A_22, %dma_wait3A] : memref<200x128xi32, #tpu.memory_space<vmem>> -> memref<1x128xi32, #tpu.memory_space<vmem>>
      %dma_wait3A_29 = tpu.memref_squeeze %dma_wait3A_28 : memref<1x128xi32, #tpu.memory_space<vmem>> -> memref<128xi32, #tpu.memory_space<vmem>>
      %dma_wait3A_30 = arith.constant 0 : i32
      %dma_wait3A_31 = arith.constant 0 : i32
      %dma_wait3A_32 = tpu.memref_slice %arg3[%dma_wait3A_30, %dma_wait3A_31] : memref<100000x64xf32, #tpu.memory_space<hbm>> -> memref<100000x64xf32, #tpu.memory_space<hbm>>
      tpu.wait_indirect_dma semaphore(%arg11 : memref<!tpu.dma_semaphore, #tpu.memory_space<semaphore_mem>>) src(%dma_wait3A_32 : memref<100000x64xf32, #tpu.memory_space<hbm>>) dst(%arg8 : memref<128x64xf32, #tpu.memory_space<vmem>>)
      %parallel_loop3A = arith.constant 0 : i32
      %parallel_loop3A_33 = arith.constant 128 : i32
      %parallel_loop3A_34 = arith.constant 1 : i32
      scf.for %parallel_loop3A_40 = %parallel_loop3A to %parallel_loop3A_33 step %parallel_loop3A_34  : i32 {
        %parallel_loop3A_41 = arith.index_cast %parallel_loop3A_40 : i32 to index
        %parallel_loop3A_42 = arith.constant 0 : index
        %parallel_loop3A_43 = tpu.vector_load %arg8[%parallel_loop3A_41, %parallel_loop3A_42] {strides = array<i32>} : memref<128x64xf32, #tpu.memory_space<vmem>>, vector<16xf32>,
        %parallel_loop3A_44 = arith.index_cast %parallel_loop3A_40 : i32 to index
        %parallel_loop3A_45 = arith.constant 16 : index
        %parallel_loop3A_46 = tpu.vector_load %arg8[%parallel_loop3A_44, %parallel_loop3A_45] {strides = array<i32>} : memref<128x64xf32, #tpu.memory_space<vmem>>, vector<16xf32>,
        %parallel_loop3A_47 = arith.index_cast %parallel_loop3A_40 : i32 to index
        %parallel_loop3A_48 = arith.constant 32 : index
        %parallel_loop3A_49 = tpu.vector_load %arg8[%parallel_loop3A_47, %parallel_loop3A_48] {strides = array<i32>} : memref<128x64xf32, #tpu.memory_space<vmem>>, vector<16xf32>,
        %parallel_loop3A_50 = arith.index_cast %parallel_loop3A_40 : i32 to index
        %parallel_loop3A_51 = arith.constant 48 : index
        %parallel_loop3A_52 = tpu.vector_load %arg8[%parallel_loop3A_50, %parallel_loop3A_51] {strides = array<i32>} : memref<128x64xf32, #tpu.memory_space<vmem>>, vector<16xf32>,
        %parallel_loop3A_53 = arith.addf %parallel_loop3A_43, %parallel_loop3A_46 : vector<16xf32>
        %parallel_loop3A_54 = arith.addf %parallel_loop3A_49, %parallel_loop3A_52 : vector<16xf32>
        %parallel_loop3A_55 = arith.addf %parallel_loop3A_53, %parallel_loop3A_54 : vector<16xf32>
        %parallel_loop3A_56 = arith.mulf %parallel_loop3A_43, %parallel_loop3A_43 : vector<16xf32>
        %parallel_loop3A_57 = arith.mulf %parallel_loop3A_46, %parallel_loop3A_46 : vector<16xf32>
        %parallel_loop3A_58 = arith.addf %parallel_loop3A_56, %parallel_loop3A_57 : vector<16xf32>
        %parallel_loop3A_59 = arith.mulf %parallel_loop3A_49, %parallel_loop3A_49 : vector<16xf32>
        %parallel_loop3A_60 = arith.mulf %parallel_loop3A_52, %parallel_loop3A_52 : vector<16xf32>
        %parallel_loop3A_61 = arith.addf %parallel_loop3A_59, %parallel_loop3A_60 : vector<16xf32>
        %parallel_loop3A_62 = arith.addf %parallel_loop3A_58, %parallel_loop3A_61 : vector<16xf32>
        %parallel_loop3A_63 = arith.constant true
        %parallel_loop3A_64 = vector.broadcast %parallel_loop3A_63 : i1 to vector<16xi1>
        %parallel_loop3A_65 = tpu.scan <sum>, %parallel_loop3A_55 masked %parallel_loop3A_64 : vector<16xf32>, vector<16xi1> -> vector<16xf32>
        %parallel_loop3A_66 = vector.extract %parallel_loop3A_65[15] : f32 from vector<16xf32>
        %parallel_loop3A_67 = arith.mulf %parallel_loop3A_66, %scan3A_16 : f32
        %parallel_loop3A_68 = arith.constant true
        %parallel_loop3A_69 = vector.broadcast %parallel_loop3A_68 : i1 to vector<16xi1>
        %parallel_loop3A_70 = tpu.scan <sum>, %parallel_loop3A_62 masked %parallel_loop3A_69 : vector<16xf32>, vector<16xi1> -> vector<16xf32>
        %parallel_loop3A_71 = vector.extract %parallel_loop3A_70[15] : f32 from vector<16xf32>
        %parallel_loop3A_72 = arith.mulf %parallel_loop3A_71, %scan3A_16 : f32
        %parallel_loop3A_73 = arith.mulf %parallel_loop3A_67, %parallel_loop3A_67 : f32
        %parallel_loop3A_74 = arith.subf %parallel_loop3A_72, %parallel_loop3A_73 : f32
        %parallel_loop3A_75 = arith.constant 9.99999974E-6 : f32
        %parallel_loop3A_76 = arith.addf %parallel_loop3A_74, %parallel_loop3A_75 : f32
        %parallel_loop3A_77 = arith.bitcast %parallel_loop3A_76 : f32 to i32
        %parallel_loop3A_78 = arith.constant 1 : i32
        %parallel_loop3A_79 = arith.shrsi %parallel_loop3A_77, %parallel_loop3A_78 : i32
        %parallel_loop3A_80 = arith.constant 1597463007 : i32
        %parallel_loop3A_81 = arith.subi %parallel_loop3A_80, %parallel_loop3A_79 : i32
        %parallel_loop3A_82 = arith.bitcast %parallel_loop3A_81 : i32 to f32
        %parallel_loop3A_83 = arith.constant 5.000000e-01 : f32
        %parallel_loop3A_84 = arith.mulf %parallel_loop3A_83, %parallel_loop3A_76 : f32
        %parallel_loop3A_85 = arith.mulf %parallel_loop3A_84, %parallel_loop3A_82 : f32
        %parallel_loop3A_86 = arith.mulf %parallel_loop3A_85, %parallel_loop3A_82 : f32
        %parallel_loop3A_87 = arith.constant 1.500000e+00 : f32
        %parallel_loop3A_88 = arith.subf %parallel_loop3A_87, %parallel_loop3A_86 : f32
        %parallel_loop3A_89 = arith.mulf %parallel_loop3A_82, %parallel_loop3A_88 : f32
        %parallel_loop3A_90 = arith.constant 5.000000e-01 : f32
        %parallel_loop3A_91 = arith.mulf %parallel_loop3A_90, %parallel_loop3A_76 : f32
        %parallel_loop3A_92 = arith.mulf %parallel_loop3A_91, %parallel_loop3A_89 : f32
        %parallel_loop3A_93 = arith.mulf %parallel_loop3A_92, %parallel_loop3A_89 : f32
        %parallel_loop3A_94 = arith.constant 1.500000e+00 : f32
        %parallel_loop3A_95 = arith.subf %parallel_loop3A_94, %parallel_loop3A_93 : f32
        %parallel_loop3A_96 = arith.mulf %parallel_loop3A_89, %parallel_loop3A_95 : f32
        %parallel_loop3A_97 = arith.constant 5.000000e-01 : f32
        %parallel_loop3A_98 = arith.mulf %parallel_loop3A_97, %parallel_loop3A_76 : f32
        %parallel_loop3A_99 = arith.mulf %parallel_loop3A_98, %parallel_loop3A_96 : f32
        %parallel_loop3A_100 = arith.mulf %parallel_loop3A_99, %parallel_loop3A_96 : f32
        %parallel_loop3A_101 = arith.constant 1.500000e+00 : f32
        %parallel_loop3A_102 = arith.subf %parallel_loop3A_101, %parallel_loop3A_100 : f32
        %parallel_loop3A_103 = arith.mulf %parallel_loop3A_96, %parallel_loop3A_102 : f32
        %parallel_loop3A_104 = vector.broadcast %parallel_loop3A_67 : f32 to vector<16xf32>
        %parallel_loop3A_105 = arith.subf %parallel_loop3A_43, %parallel_loop3A_104 : vector<16xf32>
        %parallel_loop3A_106 = vector.broadcast %parallel_loop3A_103 : f32 to vector<16xf32>
        %parallel_loop3A_107 = arith.mulf %parallel_loop3A_105, %parallel_loop3A_106 : vector<16xf32>
        %parallel_loop3A_108 = arith.mulf %parallel_loop3A_107, %get3A_1 : vector<16xf32>
        %parallel_loop3A_109 = arith.addf %parallel_loop3A_108, %get3A_9 : vector<16xf32>
        %parallel_loop3A_110 = arith.index_cast %parallel_loop3A_40 : i32 to index
        %parallel_loop3A_111 = arith.constant 0 : index
        %parallel_loop3A_112 = tpu.vector_load %arg8[%parallel_loop3A_110, %parallel_loop3A_111] {strides = array<i32>} : memref<128x64xf32, #tpu.memory_space<vmem>>, vector<16xf32>,
        tpu.vector_store %arg8[%parallel_loop3A_110, %parallel_loop3A_111], %parallel_loop3A_109 {strides = array<i32>} : memref<128x64xf32, #tpu.memory_space<vmem>>, vector<16xf32>,
        %parallel_loop3A_113 = vector.broadcast %parallel_loop3A_67 : f32 to vector<16xf32>
        %parallel_loop3A_114 = arith.subf %parallel_loop3A_46, %parallel_loop3A_113 : vector<16xf32>
        %parallel_loop3A_115 = vector.broadcast %parallel_loop3A_103 : f32 to vector<16xf32>
        %parallel_loop3A_116 = arith.mulf %parallel_loop3A_114, %parallel_loop3A_115 : vector<16xf32>
        %parallel_loop3A_117 = arith.mulf %parallel_loop3A_116, %get3A_3 : vector<16xf32>
        %parallel_loop3A_118 = arith.addf %parallel_loop3A_117, %get3A_11 : vector<16xf32>
        %parallel_loop3A_119 = arith.index_cast %parallel_loop3A_40 : i32 to index
        %parallel_loop3A_120 = arith.constant 16 : index
        %parallel_loop3A_121 = tpu.vector_load %arg8[%parallel_loop3A_119, %parallel_loop3A_120] {strides = array<i32>} : memref<128x64xf32, #tpu.memory_space<vmem>>, vector<16xf32>,
        tpu.vector_store %arg8[%parallel_loop3A_119, %parallel_loop3A_120], %parallel_loop3A_118 {strides = array<i32>} : memref<128x64xf32, #tpu.memory_space<vmem>>, vector<16xf32>,
        %parallel_loop3A_122 = vector.broadcast %parallel_loop3A_67 : f32 to vector<16xf32>
        %parallel_loop3A_123 = arith.subf %parallel_loop3A_49, %parallel_loop3A_122 : vector<16xf32>
        %parallel_loop3A_124 = vector.broadcast %parallel_loop3A_103 : f32 to vector<16xf32>
        %parallel_loop3A_125 = arith.mulf %parallel_loop3A_123, %parallel_loop3A_124 : vector<16xf32>
        %parallel_loop3A_126 = arith.mulf %parallel_loop3A_125, %get3A_5 : vector<16xf32>
        %parallel_loop3A_127 = arith.addf %parallel_loop3A_126, %get3A_13 : vector<16xf32>
        %parallel_loop3A_128 = arith.index_cast %parallel_loop3A_40 : i32 to index
        %parallel_loop3A_129 = arith.constant 32 : index
        %parallel_loop3A_130 = tpu.vector_load %arg8[%parallel_loop3A_128, %parallel_loop3A_129] {strides = array<i32>} : memref<128x64xf32, #tpu.memory_space<vmem>>, vector<16xf32>,
        tpu.vector_store %arg8[%parallel_loop3A_128, %parallel_loop3A_129], %parallel_loop3A_127 {strides = array<i32>} : memref<128x64xf32, #tpu.memory_space<vmem>>, vector<16xf32>,
        %parallel_loop3A_131 = vector.broadcast %parallel_loop3A_67 : f32 to vector<16xf32>
        %parallel_loop3A_132 = arith.subf %parallel_loop3A_52, %parallel_loop3A_131 : vector<16xf32>
        %parallel_loop3A_133 = vector.broadcast %parallel_loop3A_103 : f32 to vector<16xf32>
        %parallel_loop3A_134 = arith.mulf %parallel_loop3A_132, %parallel_loop3A_133 : vector<16xf32>
        %parallel_loop3A_135 = arith.mulf %parallel_loop3A_134, %get3A_7 : vector<16xf32>
        %parallel_loop3A_136 = arith.addf %parallel_loop3A_135, %get3A_15 : vector<16xf32>
        %parallel_loop3A_137 = arith.index_cast %parallel_loop3A_40 : i32 to index
        %parallel_loop3A_138 = arith.constant 48 : index
        %parallel_loop3A_139 = tpu.vector_load %arg8[%parallel_loop3A_137, %parallel_loop3A_138] {strides = array<i32>} : memref<128x64xf32, #tpu.memory_space<vmem>>, vector<16xf32>,
        tpu.vector_store %arg8[%parallel_loop3A_137, %parallel_loop3A_138], %parallel_loop3A_136 {strides = array<i32>} : memref<128x64xf32, #tpu.memory_space<vmem>>, vector<16xf32>,
      } {sc.loop_unroll_factor = 8 : i64, sc.parallel_access}
      %mul3A_35 = arith.constant 200 : i32
      %mul3A_36 = arith.muli %add3A, %mul3A_35 : i32
      %add3A_37 = arith.addi %mul3A_36, %scan3A_22 : i32
      %mul3A_38 = arith.constant 128 : i32
      %mul3A_39 = arith.muli %add3A_37, %mul3A_38 : i32
      %multiple_of3A = tpu.assume_multiple %mul3A_39, 128 : i32
      "tpu.region"() ({
        %run_scoped3A = tpu.sem_alloc : memref<!tpu.dma_semaphore, #tpu.memory_space<semaphore_mem>>
        %dma_start3A_40 = arith.constant 0 : i32
        %dma_start3A_41 = tpu.memref_slice %arg6[%multiple_of3A, %dma_start3A_40] : memref<819200x64xf32, #tpu.memory_space<hbm>> -> memref<128x64xf32, #tpu.memory_space<hbm>>
        %dma_start3A_42 = arith.constant 0 : i32
        %dma_start3A_43 = tpu.memref_slice %arg6[%multiple_of3A, %dma_start3A_42] : memref<819200x64xf32, #tpu.memory_space<hbm>> -> memref<128x64xf32, #tpu.memory_space<hbm>>
        tpu.enqueue_dma source(%arg8 : memref<128x64xf32, #tpu.memory_space<vmem>>) target(%dma_start3A_43 : memref<128x64xf32, #tpu.memory_space<hbm>>) target_semaphore(%run_scoped3A : memref<!tpu.dma_semaphore, #tpu.memory_space<semaphore_mem>>)
        %dma_wait3A_44 = arith.constant 0 : i32
        %dma_wait3A_45 = tpu.memref_slice %arg6[%multiple_of3A, %dma_wait3A_44] : memref<819200x64xf32, #tpu.memory_space<hbm>> -> memref<128x64xf32, #tpu.memory_space<hbm>>
        %dma_wait3A_46 = arith.constant 0 : i32
        %dma_wait3A_47 = tpu.memref_slice %arg6[%multiple_of3A, %dma_wait3A_46] : memref<819200x64xf32, #tpu.memory_space<hbm>> -> memref<128x64xf32, #tpu.memory_space<hbm>>
        tpu.wait_dma2 semaphore(%run_scoped3A : memref<!tpu.dma_semaphore, #tpu.memory_space<semaphore_mem>>) src(%arg8 : memref<128x64xf32, #tpu.memory_space<vmem>>) dst(%dma_wait3A_47 : memref<128x64xf32, #tpu.memory_space<hbm>>)
        tpu.yield
      }) : () -> ()
    }
    %scan3A_21 = arith.constant 200 : i32
    return
  }
}

</mosaic_0001>

<sc_bundles>
// kernel: kernel.3.cloned.1.call-start
scs
__scs_entry_jumppad:
0x0: {  	(pc) =	sbr.rel $0x88, $3  }
0x1: {  	(tag) =	ssettag $0x0;
	lr =	simm.s32 $0x1  }
0x2: {  	[smem:$0x3F9D] =	sst lr;
	_ =	strace $0xD0000000  }
0x3: {  	_ = 	snop  }
0x4: {  	_ = 	snop  }
0x5: {  	_ = 	snop  }
0x6: {  	_ = 	snop  }
0x7: {  	_ = 	snop  }
__scs_overlays_trampoline_lowered:
0x8: {  	[smem:$0x3FAC] =	sst s0  }
0x9: {  	[smem:$0x3FAD] =	sst s1  }
0xa: {  	[smem:$0x3FAE] =	sst s2  }
0xb: {  	[smem:$0x3FAF] =	sst s3  }
0xc: {  	[smem:$0x3FB0] =	sst s4  }
0xd: {  	[smem:$0x3FB1] =	sst s5  }
0xe: {  	[smem:$0x3FB2] =	sst s6  }
0xf: {  	[smem:$0x3FB3] =	sst s7  }
0x10: {  	[smem:$0x3FB4] =	sst s8  }
0x11: {  	[smem:$0x3FB5] =	sst s9;
	s0 =	simm.s32 @!p0 $0x0  }
0x12: {  	s1 =	sld [smem:$0x3F9B];
	s0 =	simm.s32 @p0 $0x1  }
0x13: {  	[smem:$0x3FB6] =	sst s0;
	s0 =	simm.s32 @!p1 $0x0  }
0x14: {  	s2 =	sld [smem:$0x3F9A];
	s0 =	simm.s32 @p1 $0x1  }
0x15: {  	[smem:$0x3FB7] =	sst s0;
	s0 =	simm.s32 @!p2 $0x0  }
0x16: {  	s3 =	sld [smem:$0x3FDB];
	s0 =	simm.s32 @p2 $0x1  }
0x17: {  	s4 =	simm.s32 $0x1BF5;
	[smem:$0x3FB9] =	sst s0  }
0x18: {  	s0 =	sld [smem:$0x3F9C];
	_ =	swait.ge [sflag:s4], $0x0  }
0x19: {  	s7 =	sld [smem:$0x3F9D]  }
0x1a: {  	s8 =	sadd.s32 $0xFFFFE003, lr  }
0x1b: {  	s9 =	sadd.s32 $0xFFFFFEF7, lr;
	s5 =	simm.s32 $0xFFFFFFFF;
	p2 =	slt.u32 s8, $0xFFFFF086  }
0x1c: {  	p1 =	slt.u32 s9, $0xF7A;
	s5 =	simm.s32 @!p2 $0x0  }
0x1d: {  	s5 =	simm.s32 @p1 $0x1;
	p0 =	seq.s32 s7, s2  }
0x1e: {  	s7 =	smul.u32 @!p0 $0xF7A, s2;
	p2 =	seq.s32 @!p0 s5, $0x0  }
0x1f: {  	s9 =	smul.u32 $0xF7A, s1;
	s8 =	simm.s32 @!p0 $0x1BF5;
	p2 =	por !p2, p0  }
0x20: {  	[sflag:s8] =	ssyncset.s32 @!p0 $0xFFFFF086;
	s6 =	sadd.s32 @!p0 s3, s7;
	s7 =	simm.s32 @!p0 $0x108  }
0x21: {  	s3 =	sadd.s32 s3, s9;
	s6 =	sadd.s32 @!p0 $0x88, s6;
	s7 =	simm.s32 @p2 $0x1082  }
0x22: {  	[simem:s7], [sflag:s8] =	dma.local @!p0 [hbm:s6], $0xF7A  }
0x23: {  	s9 =	sor.u32 $0xD0000000, s2;
	s6 =	simm.s32 $0x108;
	_ =	swait.ge @!p0 [sflag:s8], $0x0  }
0x24: {  	s3 =	sadd.s32 $0x88, s3;
	s6 =	simm.s32 @!p1 $0x1082;
	[sflag:s4] =	ssyncset.s32 $0xFFFFF086  }
0x25: {  	[simem:s6], [sflag:s4] =	dma.local [hbm:s3], $0xF7A  }
0x26: {  	[smem:$0x3F9D] =	sst s1;
	(tag) =	ssettag s2;
	_ =	strace s9  }
0x27: {  	s1 =	sld [smem:$0x3FAD]  }
0x28: {  	s2 =	sld [smem:$0x3FAE]  }
0x29: {  	s4 =	sld [smem:$0x3FB0]  }
0x2a: {  	p0 =	seq.s32 s5, $0x0;
	s5 =	sld [smem:$0x3FB1]  }
0x2b: {  	s6 =	sld [smem:$0x3FB2]  }
0x2c: {  	s7 =	sld [smem:$0x3FB3]  }
0x2d: {  	s3 =	simm.s32 $0x108;
	s8 =	sld [smem:$0x3FB4]  }
0x2e: {  	s3 =	simm.s32 @!p0 $0x1082;
	s9 =	sld [smem:$0x3FB5]  }
0x2f: {  	lr =	sadd.s32 s0, s3;
	s0 =	sld [smem:$0x3FAC]  }
0x30: {  	s3 =	sld [smem:$0x3FAF]  }
0x31: {  	[smem:$0x3FB8] =	sst s10  }
0x32: {  	s10 =	sld [smem:$0x3FB6];
	_ =	sdelay $0x3  }
0x33: {  	p0 =	seq.s32 s10, $0x1;
	s10 =	sld [smem:$0x3FB8];
	_ =	sdelay $0x3  }
0x34: {  	[smem:$0x3FB8] =	sst s10  }
0x35: {  	s10 =	sld [smem:$0x3FB7];
	_ =	sdelay $0x3  }
0x36: {  	p1 =	seq.s32 s10, $0x1;
	s10 =	sld [smem:$0x3FB8];
	_ =	sdelay $0x3  }
0x37: {  	[smem:$0x3FB8] =	sst s10  }
0x38: {  	s10 =	sld [smem:$0x3FB9]  }
0x39: {  	_ = 	snop;
	(pc) =	sbr.ind lr, $3  }
0x3a: {  	_ = 	snop  }
0x3b: {  	_ = 	snop  }
0x3c: {  	p2 =	seq.s32 s10, $0x1;
	s10 =	sld [smem:$0x3FB8]  }
0x3d: {  	_ =	shalt  }
0x3e: {  	_ =	shalt  }
0x3f: {  	_ =	shalt  }
0x40: {  	_ =	shalt  }
0x41: {  	_ =	shalt  }
0x42: {  	_ =	shalt  }
0x43: {  	_ =	shalt  }
0x44: {  	_ =	shalt  }
0x45: {  	_ =	shalt  }
0x46: {  	_ =	shalt  }
0x47: {  	_ =	shalt  }
0x48: {  	_ =	shalt  }
0x49: {  	_ =	shalt  }
0x4a: {  	_ =	shalt  }
0x4b: {  	_ =	shalt  }
0x4c: {  	_ =	shalt  }
0x4d: {  	_ =	shalt  }
0x4e: {  	_ =	shalt  }
0x4f: {  	_ =	shalt  }
0x50: {  	_ =	shalt  }
0x51: {  	_ =	shalt  }
0x52: {  	_ =	shalt  }
0x53: {  	_ =	shalt  }
0x54: {  	_ =	shalt  }
0x55: {  	_ =	shalt  }
0x56: {  	_ =	shalt  }
0x57: {  	_ =	shalt  }
0x58: {  	_ =	shalt  }
0x59: {  	_ =	shalt  }
0x5a: {  	_ =	shalt  }
0x5b: {  	_ =	shalt  }
0x5c: {  	_ =	shalt  }
0x5d: {  	_ =	shalt  }
0x5e: {  	_ =	shalt  }
0x5f: {  	_ =	shalt  }
0x60: {  	_ =	shalt  }
0x61: {  	_ =	shalt  }
0x62: {  	_ =	shalt  }
0x63: {  	_ =	shalt  }
0x64: {  	_ =	shalt  }
0x65: {  	_ =	shalt  }
0x66: {  	_ =	shalt  }
0x67: {  	_ =	shalt  }
0x68: {  	_ =	shalt  }
0x69: {  	_ =	shalt  }
0x6a: {  	_ =	shalt  }
0x6b: {  	_ =	shalt  }
0x6c: {  	_ =	shalt  }
0x6d: {  	_ =	shalt  }
0x6e: {  	_ =	shalt  }
0x6f: {  	_ =	shalt  }
0x70: {  	_ =	shalt  }
0x71: {  	_ =	shalt  }
0x72: {  	_ =	shalt  }
0x73: {  	_ =	shalt  }
0x74: {  	_ =	shalt  }
0x75: {  	_ =	shalt  }
0x76: {  	_ =	shalt  }
0x77: {  	_ =	shalt  }
0x78: {  	_ =	shalt  }
0x79: {  	_ =	shalt  }
0x7a: {  	_ =	shalt  }
0x7b: {  	_ =	shalt  }
0x7c: {  	_ =	shalt  }
0x7d: {  	_ =	shalt  }
0x7e: {  	_ =	shalt  }
0x7f: {  	_ =	shalt  }
0x80: {  	_ =	shalt  }
0x81: {  	_ =	shalt  }
0x82: {  	_ =	shalt  }
0x83: {  	_ =	shalt  }
0x84: {  	_ =	shalt  }
0x85: {  	_ =	shalt  }
0x86: {  	_ =	shalt  }
0x87: {  	_ =	shalt  }
.Lfunc_end0:
.L_simem_size_0:
called_computation.1_lowered:
.L_overlay_start_0:
0x88: {  	s2 =	sld [smem:$0x3FD9]  }
0x89: {  	s3 =	sld [smem:$0x3FFE];
	_ =	sdelay $0x1  }
0x8a: {  	s1 =	srdreg.scid  }
0x8b: {  	s0 =	sand.u32 $0x1, s1  }
0x8c: {  	s17 =	sshll.u32 s0, $0xA;
	s2 =	sadd.s32 s3, s2  }
0x8d: {  	s2 =	sadd.s32 s2, s17  }
0x8e: {  	[smem:$0x3FC4] =	sst s2  }
0x8f: {  	_ = 	snop  }
0x90: {  	s2 =	sld [smem:$0x3FC7]  }
0x91: {  	s18 =	sld [smem:$0x3FC6]  }
0x92: {  	s4 =	sld [smem:$0x3FD0];
	(tm) =	ssettm $0x1  }
0x93: {  	s5 =	sld [smem:$0x3FFB];
	_ =	sdelay $0x3  }
0x94: {  	_ =	strace s5  }
0x95: {  	s5 =	sld [smem:$0x3FFC];
	_ =	sdelay $0x3  }
0x96: {  	_ =	strace s5  }
0x97: {  	s5 =	sld [smem:$0x3FFD];
	_ =	sdelay $0x3  }
0x98: {  	_ =	strace s5  }
0x99: {  	_ =	strace $0x8FFFFFFF  }
0x9a: {  	s19 =	sld [smem:$0x3FDB];
	_ =	sdelay $0x1  }
0x9b: {  	s6 =	simm.s32 $_scs_section_size  }
0x9c: {  	s7 =	simm.s32 $_size__tile_overlayer_lowered;
	s8 =	simm.s32 $_tile_overlayer_lowered  }
0x9d: {  	s22 =	simm.s32 $0x1BFF;
	s21 =	sshll.u32 s8, $0x1;
	s5 =	sadd.s32 s6, s19  }
0x9e: {  	s9 =	simm.s32 $0x0;
	s20 =	sshll.u32 s7, $0x1;
	s7 =	sadd.s32 s21, s5  }
0x9f: {  	[timem:s9], [sflag:s22] =	dma.local [hbm:s7], s20  }
0xa0: {  	_ =	swait.ge [sflag:s22], s20  }
0xa1: {  	s6 =	ssub.s32 $0x0, s20;
	[sflag:s22] =	ssyncset.done $0x0  }
0xa2: {  	[sflag:s22] =	ssyncadd.s32 s6;
	_ =	sdelay $0x1  }
0xa3: {  	s23 =	simm.s32 $0x1B8B  }
0xa4: {  	_ =	swait.ge [sflag:s23], $0x1  }
0xa5: {  	[sflag:s23] =	ssyncset.done $0x0  }
0xa6: {  	s25 =	simm.s32 $0x1B8E;
	s24 =	sld [smem:$0x3FFE];
	[sflag:s23] =	ssyncadd.s32 $0xFFFFFFFF  }
0xa7: {  	s26 =	simm.s32 $execute0_lowered;
	[smem:$0x3FD2] =	sst s25  }
0xa8: {  	s7 =	sshll.u32 s26, $0x1;
	_ =	strace $0x80000046;
	[dreg:$0x1] =	wrdreg $0xFFFFFFFF  }
0xa9: {  	s28 =	simm.s32 $_size_execute0_lowered;
	s5 =	sadd.s32 s5, s7;
	[dreg:$0x0] =	wrdreg $0x0  }
0xaa: {  	s7 =	sshll.u32 s28, $0x1;
	[dreg:$0x2] =	wrdreg s5  }
0xab: {  	[dreg:$0x3] =	wrdreg s7  }
0xac: {  	[dreg:$0x4] =	wrdreg $0xC0  }
0xad: {  	_ =	task [dreg:s9], $0x5FFFF  }
0xae: {  	[dreg:$0x1] =	wrdreg $0xFFFFFFFF  }
0xaf: {  	[dreg:$0x0] =	wrdreg $0x60  }
0xb0: {  	[dreg:$0x2] =	wrdreg s24  }
0xb1: {  	[dreg:$0x3] =	wrdreg s2  }
0xb2: {  	[dreg:$0x4] =	wrdreg s18  }
0xb3: {  	[dreg:$0x5] =	wrdreg s4  }
0xb4: {  	[dreg:$0x6] =	wrdreg $0x9  }
0xb5: {  	_ =	task.clear_ibuf [dreg:s9], $0x7FFFF;
	_ =	strace $0x90000046  }
0xb6: {  	s29 =	simm.s32 $0x9;
	_ =	strace $0x80000048  }
0xb7: {  	_ =	swait.ge [sflag:s29], $0x1  }
0xb8: {  	[sflag:s29] =	ssyncadd.s32 $0xFFFFFFFF  }
0xb9: {  	_ =	strace $0x90000048  }
0xba: {  	_ =	sfence  }
0xbb: {  	s30 =	sld [smem:$0x0];
	_ =	sdelay $0x2  }
0xbc: {  	s31 =	sshll.u32 s1, $0xD;
	s1 =	sshrl.u32 s1, $0x2  }
0xbd: {  	s3 =	sand.u32 $0x4000, s31;
	s1 =	sadd.s32 s1, s30  }
0xbe: {  	s0 =	sor.u32 s3, s0;
	s1 =	sshll.u32 s1, $0x11  }
0xbf: {  	s0 =	sor.u32 s1, s0  }
0xc0: {  	s0 =	sadd.s32 $0x8F2B, s0  }
0xc1: {  	[sflag:s0] =	ssyncadd.remote.s32 $0x1  }
0xc2: {  	_ =	sfence.sel $0xFFFF  }
0xc3: {  	[dreg:$0x0] =	wrdreg $0xFFFFFFFF;
	(pc) =	sbr.abs _section_cstart, $3  }
0xc4: {  	[dreg:$0x1] =	wrdreg $0xFFFFFFFF  }
0xc5: {  	_ =	task.clear_ibuf [dreg:s9], $0x2FFFF;
	_ =	strace $0x9FFFFFFF  }
0xc6: {  	(tm) =	ssettm $0x7FFFFFFF  }
0xc7: {  	_ =	shalt  }
tec
execute0_lowered:
.L_overlay_start_1:
0x0: {  	(tag) =	ssettag $0x1  }
0x1: {  	s1 =	srdreg.scid;
	s2 =	stileid.u32  }
0x2: {  	s1 =	sand.u32 $0x1, s1;
	s2 =	sshll.u32 s2, $0x1  }
0x3: {  	s2 =	sor.u32 s1, s2  }
0x4: {  	s0 =	rddreg [dreg:$0x0];
	s4 =	simm.s32 $0x0;
	s3 =	smul.u32 $0xC80, s2  }
0x5: {  	[smem:$0x7FF] =	sst s4;
	s1 =	ssub.s32 $0x2, s1;
	s31 =	smul.u32 $0xC8, s2  }
0x6: {  	s10 =	simm.s32 $0x2;
	_ =	strace $0x80000047;
	s28 =	sshrl.u32 s1, $0x1  }
0x7: {  	s3 =	sadd.s32 s3, s0;
	s0 =	sadd.s32 $0x19800, s0;
	[dreg:$0x7] =	wrdreg s31  }
0x8: {  	s29 =	ssub.s32 s1, s28;
	[dreg:$0x5] =	wrdreg s0;
	s30 =	sadd.s32 $0x800, s3  }
0x9: {  	s14 =	simm.s32 $0x6400;
	s0 =	smax.u32 s29, $0x1;
	[dreg:$0x6] =	wrdreg s30  }
0xa: {  	s15 =	simm.s32 $0x1;
	s1 =	simm.s32 $0x0;
	[dreg:$0x8] =	wrdreg s0  }
.LBB2_1:
0xb: {  	[dreg:$0x9] =	wrdreg s1  }
0xc: {  	s28 =	simm.s32 $0x0;
	s0 =	rddreg [dreg:$0x6]  }
0xd: {  	[tilespmem:s28], [sflag:$0x2] =	stream.linear.gather [hbm4b:s0+s28], $0x6400, $0x38;
	[tilespmem:$0x8480] =	vst v63  }
0xe: {  	_ =	swait.ge [sflag:s10], $0x6400  }
0xf: {  	[sflag:s10] =	ssyncset.done $0x0  }
0x10: {  	[sflag:s10] =	ssyncadd.s32 $0xFFFF9C00  }
0x11: {  	s2 =	simm.s32 $0x8400;
	s29 =	rddreg [dreg:$0x1]  }
0x12: {  	[tilespmem:s2], [sflag:$0x2] =	stream.linear.gather [hbm4b:s29+s28], $0x40, $0x38;
	[tilespmem:$0x8480] =	vst v63  }
0x13: {  	_ =	swait.ge [sflag:s10], $0x40  }
0x14: {  	[sflag:s10] =	ssyncset.done $0x0  }
0x15: {  	[sflag:s10] =	ssyncadd.s32 $0xFFFFFFC0  }
0x16: {  	s31 =	simm.s32 $0x8440;
	s30 =	rddreg [dreg:$0x2]  }
0x17: {  	[tilespmem:s31], [sflag:$0x2] =	stream.linear.gather [hbm4b:s30+s28], $0x40, $0x38;
	[tilespmem:$0x8480] =	vst v63  }
0x18: {  	_ =	swait.ge [sflag:s10], $0x40  }
0x19: {  	[sflag:s10] =	ssyncset.done $0x0  }
0x1a: {  	[sflag:s10] =	ssyncadd.s32 $0xFFFFFFC0  }
0x1b: {  	v0 =	vld [tilespmem:$0x8400]  }
0x1c: {  	v61 =	vld [tilespmem:$0x8410]  }
0x1d: {  	v62 =	vld [tilespmem:$0x8420]  }
0x1e: {  	v63 =	vld [tilespmem:$0x8430];
	_ =	sdelay $0x1  }
0x1f: {  	v4 =	vld [tilespmem:$0x8440];
	[tilespmem:$0x1FFC0] =	vst v0  }
0x20: {  	v5 =	vld [tilespmem:$0x8450];
	[tilespmem:$0x1FFD0] =	vst v61  }
0x21: {  	v6 =	vld [tilespmem:$0x8460];
	[tilespmem:$0x1FFE0] =	vst v62  }
0x22: {  	s17 =	simm.s32 $0x0;
	v7 =	vld [tilespmem:$0x8470];
	[tilespmem:$0x1FFF0] =	vst v63  }
.LBB2_2:
0x23: {  	s0 =	sshll.u32 s17, $0x7  }
0x24: {  	s1 =	rddreg [dreg:$0x5];
	s2 =	simm.s32 $0x80;
	s0 =	sand.u32 $0x3FFFFF80, s0  }
0x25: {  	[tilespmem:s14], [sflag:$0x1] =	stream.indirect.gather [hbm4b:s1+s2], $0x40, s0, s2, $0xb8;
	[tilespmem:$0x8480] =	vst v63  }
0x26: {  	_ =	swait.ge [sflag:s15], $0x2000  }
0x27: {  	[sflag:s15] =	ssyncset.done $0x0  }
0x28: {  	s18 =	simm.s32 $0x6500;
	[sflag:s15] =	ssyncadd.s32 $0xFFFFE000  }
0x29: {  	v12 =	vld [tilespmem:s18+$0xC0]  }
0x2a: {  	v13 =	vld [tilespmem:s18+$0xD0]  }
0x2b: {  	v15 =	vld [tilespmem:s18+$0xE0]  }
0x2c: {  	v11 =	vld [tilespmem:s18+$0xF0];
	_ =	sdelay $0x2  }
0x2d: {  	v22 =	vld [tilespmem:s18+$0xFFFFFF10]  }
0x2e: {  	v18 =	vld [tilespmem:s18+$0xFFFFFF40];
	v8 =	vmul.f32 v12, v12;
	v9 =	vmul.f32 v13, v13  }
0x2f: {  	v19 =	vld [tilespmem:s18+$0xFFFFFF50];
	v10 =	vmul.f32 v15, v15;
	v14 =	vmul.f32 v11, v11  }
0x30: {  	v23 =	vld [tilespmem:s18+$0xFFFFFF60];
	v16 =	vadd.f32 v13, v12;
	v17 =	vadd.f32 v11, v15  }
0x31: {  	v21 =	vld [tilespmem:s18+$0xFFFFFF70];
	v8 =	vadd.f32 v9, v8;
	v49 =	vadd.f32 v14, v10  }
0x32: {  	v42 =	vld [tilespmem:s18+$0xFFFFFF80];
	v50 =	vadd.f32 v17, v16  }
0x33: {  	v26 =	vld [tilespmem:s18+$0xFFFFFF90];
	v8 =	vadd.f32 v49, v8  }
0x34: {  	v43 =	vld [tilespmem:s18+$0xFFFFFFA0];
	(xrf2) =	vadd.scan.msk.f32 $0xffff, v50  }
0x35: {  	v20 =	vld [tilespmem:s18+$0xFFFFFFB0];
	(xrf2) =	vadd.scan.msk.f32 $0xffff, v8  }
0x36: {  	v41 =	vld [tilespmem:s18+$0xFFFFFFC0]  }
0x37: {  	v40 =	vld [tilespmem:s18+$0x20]  }
0x38: {  	v16 =	vld [tilespmem:s18+$0xFFFFFFD0]  }
0x39: {  	v17 =	vld [tilespmem:s18+$0xFFFFFFE0]  }
0x3a: {  	v9 =	vld [tilespmem:s18+$0xFFFFFFF0]  }
0x3b: {  	v24 =	vadd.f32 v21, v23;
	v14 =	vld [tilespmem:s18+$0x0];
	v8 =	vadd.f32 v19, v18  }
0x3c: {  	v25 =	vadd.f32 v26, v42;
	v27 =	vadd.f32 v20, v43;
	v10 =	vld [tilespmem:s18+$0x10]  }
0x3d: {  	v24 =	vadd.f32 v24, v8;
	v8 =	vld [tilespmem:s18+$0x30]  }
0x3e: {  	v39 =	vld [tilespmem:s18+$0x40];
	v51 =	vadd.f32 v27, v25;
	v28, _, _ =	vpop (xrf2)  }
0x3f: {  	v35 =	vld [tilespmem:s18+$0x50];
	v53 =	vadd.f32 v16, v41;
	(xrf2) =	vadd.scan.msk.f32 $0xffff, v24;
	(v2sf) =	vpush v28, $0xF;
	v52, _, _ =	vpop (xrf2)  }
0x40: {  	v33 =	vld [tilespmem:s18+$0x60];
	v28 =	vadd.f32 v9, v17;
	(v2sf) =	vpush v52, $0xF  }
0x41: {  	v32 =	vld [tilespmem:s18+$0x70];
	v29 =	vadd.f32 v10, v14;
	(xrf2) =	vadd.scan.msk.f32 $0xffff, v51  }
0x42: {  	v27 =	vld [tilespmem:s18+$0xFFFFFF30];
	v30 =	vadd.f32 v8, v40;
	v28 =	vadd.f32 v28, v53  }
0x43: {  	v34 =	vld [tilespmem:s18+$0xFFFFFF20]  }
0x44: {  	v38 =	vld [tilespmem:s18+$0xFFFFFF00];
	(xrf2) =	vadd.scan.msk.f32 $0xffff, v28;
	v28 =	vadd.f32 v30, v29  }
0x45: {  	v36 =	vld [tilespmem:s18+$0xA0]  }
0x46: {  	v37 =	vld [tilespmem:s18+$0xB0];
	v29 =	vadd.f32 v35, v39;
	v30 =	vadd.f32 v32, v33;
	(xrf2) =	vadd.scan.msk.f32 $0xffff, v28  }
0x47: {  	v46 =	vmul.f32 v18, v18;
	v25 =	vld [tilespmem:s18+$0x90];
	v31 =	vmul.f32 v27, v27  }
0x48: {  	v47 =	vmul.f32 v23, v23;
	v55 =	vmul.f32 v42, v42;
	v24 =	vld [tilespmem:s18+$0x80];
	v29 =	vadd.f32 v30, v29  }
0x49: {  	v54 =	vadd.f32 v22, v38;
	v56 =	vmul.f32 v26, v26;
	v44, _, _ =	vpop (xrf2);
	v30 =	vmul.f32 v34, v34  }
0x4a: {  	v57 =	vmul.f32 v38, v38;
	v45 =	vadd.f32 v27, v34;
	(v2sf) =	vpush v44, $0xF;
	(xrf2) =	vadd.scan.msk.f32 $0xffff, v29  }
0x4b: {  	v59 =	vmul.f32 v43, v43;
	v60 =	vmul.f32 v41, v41;
	v30 =	vadd.f32 v31, v30;
	v31, _, _ =	vpop (xrf2)  }
0x4c: {  	v28 =	vmul.f32 v22, v22;
	v44 =	vadd.f32 v45, v54;
	(v2sf) =	vpush v31, $0xF  }
0x4d: {  	v49 =	vadd.f32 v37, v36;
	v50 =	vmul.f32 v20, v20;
	v48 =	vadd.f32 v25, v24  }
0x4e: {  	v62 =	vmul.f32 v16, v16;
	v29 =	vmul.f32 v19, v19;
	v28 =	vadd.f32 v28, v57;
	(xrf2) =	vadd.scan.msk.f32 $0xffff, v44;
	v58, _, _ =	vpop (xrf2);
	s19 =	spop (v2sf)  }
0x4f: {  	v48 =	vadd.f32 v49, v48;
	v31 =	vmul.f32 v21, v21;
	(v2sf) =	vpush v58, $0xF;
	s0 =	smul.f32 $1.562500000e-02, s19;
	s20 =	spop (v2sf)  }
0x50: {  	v63 =	vmul.f32 v9, v9;
	v29 =	vadd.f32 v29, v46;
	v28 =	vadd.f32 v30, v28;
	v61, _, _ =	vpop (xrf2);
	s1 =	smul.f32 $1.562500000e-02, s20  }
0x51: {  	v53 =	vmul.f32 v14, v14;
	v31 =	vadd.f32 v31, v47;
	(xrf2) =	vadd.scan.msk.f32 $0xffff, v48;
	(v2sf) =	vpush v61, $0xF;
	s21 =	smul.f32 s0, s0  }
0x52: {  	v45 =	vadd.f32 v56, v55;
	v54 =	vmul.f32 v10, v10;
	v44 =	vadd.f32 v50, v59  }
0x53: {  	v55 =	vmul.f32 v8, v8;
	(xrf2) =	vadd.scan.msk.f32 $0xffff, v28;
	v29 =	vadd.f32 v31, v29;
	v31 =	vmul.f32 v17, v17;
	s1 =	ssub.f32 s1, s21  }
0x54: {  	v30 =	vadd.f32 v62, v60;
	v44 =	vadd.f32 v44, v45;
	v28 =	vmul.f32 v40, v40;
	v52, _, _ =	vpop (xrf2)  }
0x55: {  	v56 =	vmul.f32 v39, v39;
	v31 =	vadd.f32 v63, v31;
	(xrf2) =	vadd.scan.msk.f32 $0xffff, v29;
	(v2sf) =	vpush v52, $0xF;
	s1 =	sadd.f32 $9.999999740e-06, s1  }
0x56: {  	v57 =	vmul.f32 v35, v35;
	v28 =	vadd.f32 v55, v28;
	v29 =	vadd.f32 v54, v53;
	(xrf2) =	vadd.scan.msk.f32 $0xffff, v44  }
0x57: {  	v59 =	vmul.f32 v32, v32;
	v30 =	vadd.f32 v31, v30;
	v31 =	vmul.f32 v33, v33;
	s22 =	sshra.s32 s1, $0x1;
	s4 =	smul.f32 $5.000000000e-01, s1  }
0x58: {  	v58 =	vadd.f32 v57, v56;
	v28 =	vadd.f32 v28, v29;
	v29 =	vmul.f32 v24, v24;
	v60, _, _ =	vpop (xrf2);
	s23 =	ssub.s32 $0x5F3759DF, s22  }
0x59: {  	s24 =	spop (v2sf);
	(v2sf) =	vpush v60, $0xF;
	(xrf2) =	vadd.scan.msk.f32 $0xffff, v30;
	v30 =	vmul.f32 v25, v25;
	v31 =	vadd.f32 v59, v31;
	s3 =	smul.f32 s23, s4  }
0x5a: {  	v62 =	vmul.f32 v36, v36;
	v63 =	vmul.f32 v37, v37;
	s2 =	smul.f32 $1.562500000e-02, s24  }
0x5b: {  	v61, _, _ =	vpop (xrf2);
	v31 =	vadd.f32 v31, v58;
	(xrf2) =	vadd.scan.msk.f32 $0xffff, v28;
	v28 =	vadd.f32 v30, v29;
	s7 =	spop (v2sf);
	s9 =	smul.f32 s23, s3  }
0x5c: {  	v29 =	vadd.f32 v63, v62;
	(v2sf) =	vpush v61, $0xF;
	s3 =	smul.f32 $1.562500000e-02, s7  }
0x5d: {  	s13 =	smul.f32 s2, s2;
	v30, _, _ =	vpop (xrf2);
	s25 =	ssub.f32 $1.500000000e+00, s9  }
0x5e: {  	(v2sf) =	vpush v30, $0xF;
	s9 =	smul.f32 s3, s3;
	s11 =	spop (v2sf)  }
0x5f: {  	(xrf2) =	vadd.scan.msk.f32 $0xffff, v31;
	v31, _, _ =	vpop (xrf2);
	s20 =	smul.f32 $1.562500000e-02, s11  }
0x60: {  	v28 =	vadd.f32 v29, v28;
	(v2sf) =	vpush v31, $0xF;
	v29, _, _ =	vpop (xrf2);
	s7 =	smul.f32 s23, s25;
	s26 =	spop (v2sf)  }
0x61: {  	(v2sf) =	vpush v29, $0xF;
	s11 =	smul.f32 $1.562500000e-02, s26  }
0x62: {  	s12 =	smul.f32 s7, s4  }
0x63: {  	(xrf2) =	vadd.scan.msk.f32 $0xffff, v28;
	s16 =	smul.f32 s20, s20  }
0x64: {  	v28, _, _ =	vpop (xrf2);
	s5 =	spop (v2sf);
	s12 =	smul.f32 s12, s7  }
0x65: {  	(v2sf) =	vpush v28, $0xF;
	v28, _, _ =	vpop (xrf2);
	s1 =	smul.f32 $1.562500000e-02, s5  }
0x66: {  	s23 =	smul.f32 s11, s11;
	(v2sf) =	vpush v28, $0xF;
	s12 =	ssub.f32 $1.500000000e+00, s12  }
0x67: {  	s24 =	smul.f32 s1, s1  }
0x68: {  	s6 =	spop (v2sf);
	s12 =	smul.f32 s12, s7  }
0x69: {  	v28, _, _ =	vpop (xrf2);
	s7 =	smul.f32 $1.562500000e-02, s6  }
0x6a: {  	(v2sf) =	vpush v28, $0xF;
	s4 =	smul.f32 s12, s4  }
0x6b: {  	v29 =	vmov s2;
	s19 =	spop (v2sf);
	s21 =	smul.f32 s7, s7  }
0x6c: {  	v0 =	vsub.f32 v19, v29;
	s19 =	smul.f32 $1.562500000e-02, s19  }
0x6d: {  	v28, _, _ =	vpop (xrf2);
	s22 =	spop (v2sf);
	s4 =	smul.f32 s4, s12  }
0x6e: {  	[tilespmem:$0x1FF70] =	vst v0;
	v0 =	vsub.f32 v23, v29;
	(v2sf) =	vpush v28, $0xF;
	s8 =	smul.f32 $1.562500000e-02, s22  }
0x6f: {  	s25 =	spop (v2sf);
	s4 =	ssub.f32 $1.500000000e+00, s4  }
0x70: {  	[tilespmem:$0x1FF80] =	vst v0;
	v0 =	vsub.f32 v21, v29;
	s22 =	smul.f32 $1.562500000e-02, s25;
	s26 =	spop (v2sf)  }
0x71: {  	v46 =	vmov s3;
	s12 =	smul.f32 s4, s12;
	s4 =	ssub.f32 s8, s21  }
0x72: {  	[tilespmem:$0x1FF90] =	vst v0;
	v0 =	vsub.f32 v42, v46;
	s13 =	ssub.f32 s22, s13;
	s21 =	smul.f32 $1.562500000e-02, s26  }
0x73: {  	s29 =	smul.f32 s19, s19;
	s4 =	sadd.f32 $9.999999740e-06, s4  }
0x74: {  	[tilespmem:$0x1FFA0] =	vst v0;
	v0 =	vsub.f32 v26, v46;
	s5 =	spop (v2sf);
	s9 =	ssub.f32 s21, s9  }
0x75: {  	s22 =	smul.f32 $1.562500000e-02, s5;
	s25 =	spop (v2sf)  }
0x76: {  	v49 =	vmov s0;
	[tilespmem:$0x1FFB0] =	vst v0;
	v0 =	vld [tilespmem:$0x1FFF0];
	s13 =	sadd.f32 $9.999999740e-06, s13;
	s25 =	smul.f32 $1.562500000e-02, s25  }
0x77: {  	v50 =	vsub.f32 v11, v49;
	s21 =	smul.f32 $5.000000000e-01, s4;
	s9 =	sadd.f32 $9.999999740e-06, s9  }
0x78: {  	v48 =	vmov s11;
	s16 =	ssub.f32 s22, s16;
	s22 =	smul.f32 $5.000000000e-01, s13  }
0x79: {  	v45 =	vsub.f32 v10, v48;
	v10 =	vmul.f32 s12, v50;
	s26 =	spop (v2sf);
	s6 =	ssub.f32 s25, s23  }
0x7a: {  	s26 =	smul.f32 $1.562500000e-02, s26;
	s16 =	sadd.f32 $9.999999740e-06, s16  }
0x7b: {  	v10 =	vmul.f32 v10, v0;
	v0 =	vld [tilespmem:$0x1FFC0];
	s25 =	smul.f32 $5.000000000e-01, s9;
	s9 =	sshra.s32 s9, $0x1;
	s3 =	sadd.f32 $9.999999740e-06, s6  }
0x7c: {  	v51 =	vsub.f32 v12, v49;
	s8 =	ssub.f32 s26, s24;
	s30 =	ssub.s32 $0x5F3759DF, s9;
	s28 =	smul.f32 $5.000000000e-01, s16  }
0x7d: {  	s9 =	smul.f32 s30, s25;
	s26 =	spop (v2sf)  }
0x7e: {  	v47 =	vmov s20;
	v11 =	vmul.f32 s12, v51;
	s20 =	sshra.s32 s16, $0x1;
	s31 =	sadd.f32 $9.999999740e-06, s8;
	s5 =	smul.f32 $1.562500000e-02, s26  }
0x7f: {  	s0 =	ssub.s32 $0x5F3759DF, s20;
	s26 =	smul.f32 $5.000000000e-01, s3  }
0x80: {  	v52 =	vsub.f32 v13, v49;
	s8 =	sshra.s32 s13, $0x1;
	v60 =	vmul.f32 v11, v0;
	v0 =	vld [tilespmem:$0x1FFD0];
	s16 =	smul.f32 s0, s28  }
0x81: {  	v2 =	vsub.f32 v18, v29;
	v55 =	vsub.f32 v43, v46;
	s2 =	ssub.s32 $0x5F3759DF, s8;
	s23 =	smul.f32 $5.000000000e-01, s31  }
0x82: {  	v58 =	vsub.f32 v20, v46;
	v59 =	vsub.f32 v41, v47;
	s4 =	sshra.s32 s4, $0x1;
	s8 =	smul.f32 s2, s22  }
0x83: {  	v57 =	vsub.f32 v16, v47;
	v53 =	vsub.f32 v17, v47;
	v12 =	vmul.f32 s12, v52;
	s6 =	ssub.f32 s5, s29;
	s29 =	ssub.s32 $0x5F3759DF, s4;
	s16 =	smul.f32 s0, s16  }
0x84: {  	v54 =	vsub.f32 v9, v47;
	v9 =	vsub.f32 v15, v49;
	s5 =	sshra.s32 s3, $0x1;
	s4 =	smul.f32 s29, s21  }
0x85: {  	v28 =	vsub.f32 v8, v48;
	v8 =	vmov s1;
	s1 =	ssub.s32 $0x5F3759DF, s5;
	s8 =	smul.f32 s2, s8;
	v61 =	vmul.f32 v12, v0;
	v0 =	vld [tilespmem:$0x1FFE0]  }
0x86: {  	v44 =	vsub.f32 v40, v48;
	v46 =	vsub.f32 v14, v48;
	s13 =	sadd.f32 $9.999999740e-06, s6;
	s20 =	smul.f32 s1, s26  }
0x87: {  	v56 =	vmov s7;
	v29 =	vsub.f32 v39, v8;
	v30 =	vsub.f32 v35, v8;
	s6 =	sshra.s32 s31, $0x1;
	s4 =	smul.f32 s29, s4  }
0x88: {  	v31 =	vsub.f32 v33, v8;
	v48 =	vsub.f32 v32, v8;
	v8 =	vmul.f32 s12, v9;
	s3 =	ssub.s32 $0x5F3759DF, s6;
	s24 =	smul.f32 $5.000000000e-01, s13  }
0x89: {  	v32 =	vsub.f32 v38, v56;
	v10 =	vadd.f32 v10, v7;
	s5 =	smul.f32 s3, s23  }
0x8a: {  	v33 =	vsub.f32 v22, v56;
	v9 =	vadd.f32 v60, v4;
	s12 =	ssub.f32 $1.500000000e+00, s8;
	s11 =	sshra.s32 s13, $0x1;
	s13 =	smul.f32 s30, s9;
	v8 =	vmul.f32 v8, v0  }
0x8b: {  	v34 =	vsub.f32 v34, v56;
	[tilespmem:s18+$0xF0] =	vst v10;
	v62 =	vadd.f32 v61, v5;
	s20 =	smul.f32 s1, s20;
	s9 =	ssub.f32 $1.500000000e+00, s16;
	s11 =	ssub.s32 $0x5F3759DF, s11  }
0x8c: {  	v35 =	vsub.f32 v27, v56;
	v63 =	vmov s19;
	[tilespmem:s18+$0xC0] =	vst v9;
	s7 =	ssub.f32 $1.500000000e+00, s4;
	s6 =	smul.f32 s11, s24;
	v8 =	vadd.f32 v8, v6  }
0x8d: {  	s19 =	simm.s32 $0x0;
	v47 =	vsub.f32 v25, v63;
	v39 =	vsub.f32 v37, v63;
	s31 =	ssub.f32 $1.500000000e+00, s13;
	s4 =	smul.f32 s3, s5;
	[tilespmem:s18+$0xD0] =	vst v62  }
0x8e: {  	v51 =	vsub.f32 v24, v63;
	v50 =	vsub.f32 v36, v63;
	s16 =	ssub.f32 $1.500000000e+00, s20;
	s20 =	simm.s32 $0x6700;
	s13 =	smul.f32 s11, s6;
	[tilespmem:s18+$0xE0] =	vst v8  }
.LBB2_3:
0x8f: {  	v36 =	vld [tilespmem:s20+$0xC0]  }
0x90: {  	v38 =	vld [tilespmem:s20+$0xD0]  }
0x91: {  	v37 =	vld [tilespmem:s20+$0xE0]  }
0x92: {  	[tilespmem:$0x1FF50] =	vst v39;
	v39 =	vld [tilespmem:s20+$0xF0]  }
0x93: {  	v41 =	vld [tilespmem:s20+$0xFFFFFF20];
	s7 =	smul.f32 s29, s7  }
0x94: {  	v40 =	vld [tilespmem:s20+$0xFFFFFF30];
	s12 =	smul.f32 s2, s12  }
0x95: {  	[tilespmem:$0x1FF10] =	vst v48;
	v48 =	vld [tilespmem:s20+$0xFFFFFF40];
	s31 =	smul.f32 s30, s31  }
0x96: {  	[tilespmem:$0x1FF30] =	vst v47;
	v47 =	vld [tilespmem:s20+$0xFFFFFF50];
	s4 =	ssub.f32 $1.500000000e+00, s4;
	s2 =	smul.f32 s0, s9  }
0x97: {  	v49 =	vld [tilespmem:s20+$0xFFFFFF60];
	s5 =	ssub.f32 $1.500000000e+00, s13;
	s30 =	smul.f32 s1, s16  }
0x98: {  	[tilespmem:$0x1FF20] =	vst v51;
	v51 =	vld [tilespmem:s20+$0xFFFFFF70];
	s29 =	smul.f32 s3, s4  }
0x99: {  	[tilespmem:$0x1FED0] =	vst v54;
	v54 =	vld [tilespmem:s20+$0xFFFFFF80];
	s3 =	smul.f32 s11, s5;
	v10 =	vmul.f32 v36, v36;
	v11 =	vmul.f32 v38, v38  }
0x9a: {  	[tilespmem:$0x1FEA0] =	vst v58;
	v56 =	vld [tilespmem:s20+$0xFFFFFF90];
	s5 =	smul.f32 s7, s21;
	v8 =	vadd.f32 v38, v36;
	v13 =	vmul.f32 v37, v37;
	v14 =	vmul.f32 v39, v39  }
0x9b: {  	[tilespmem:$0x1FF40] =	vst v50;
	v58 =	vld [tilespmem:s20+$0xFFFFFFA0];
	s8 =	smul.f32 s12, s22;
	v9 =	vadd.f32 v39, v37;
	v15 =	vmul.f32 v41, v41;
	v50 =	vmul.f32 v40, v40  }
0x9c: {  	[tilespmem:$0x1FEC0] =	vst v53;
	v63 =	vld [tilespmem:s20+$0xFFFFFFB0];
	s13 =	smul.f32 s31, s25;
	v53 =	vmul.f32 v48, v48;
	v16 =	vmul.f32 v47, v47  }
0x9d: {  	[tilespmem:$0x1FEB0] =	vst v59;
	v42 =	vld [tilespmem:s20+$0xFFFFFF10];
	s16 =	smul.f32 s2, s28;
	v59 =	vmul.f32 v49, v49;
	v62 =	vadd.f32 v51, v49;
	v8 =	vadd.f32 v9, v8  }
0x9e: {  	v0 =	vmovc v55;
	v55 =	vld [tilespmem:s20+$0xFFFFFFE0];
	s6 =	smul.f32 s30, s26;
	v20 =	vmul.f32 v51, v51;
	v10 =	vadd.f32 v11, v10;
	v52 =	vadd.f32 v14, v13  }
0x9f: {  	v60 =	vld [tilespmem:s20+$0x10];
	s9 =	smul.f32 s29, s23;
	v21 =	vmul.f32 v54, v54;
	v22 =	vadd.f32 v56, v54;
	v17 =	vmul.f32 v56, v56;
	(xrf2) =	vadd.scan.msk.f32 $0xffff, v8  }
0xa0: {  	s11 =	smul.f32 s3, s24;
	v23 =	vmul.f32 v58, v58;
	v15 =	vadd.f32 v50, v15;
	v50 =	vld [tilespmem:s20+$0xFFFFFFC0];
	v10 =	vadd.f32 v52, v10  }
0xa1: {  	s0 =	smul.f32 s5, s7;
	v18 =	vadd.f32 v63, v58;
	v24 =	vmul.f32 v63, v63;
	v9 =	vadd.f32 v20, v59;
	v59 =	vld [tilespmem:s20+$0xFFFFFFF0]  }
0xa2: {  	s1 =	smul.f32 s8, s12;
	v13 =	vadd.f32 v16, v53;
	v8 =	vadd.f32 v47, v48;
	v52 =	vld [tilespmem:s20+$0xFFFFFFD0];
	(xrf2) =	vadd.scan.msk.f32 $0xffff, v10  }
0xa3: {  	s4 =	smul.f32 s13, s31;
	v53 =	vld [tilespmem:s20+$0x0];
	v16 =	vadd.f32 v24, v23;
	v10 =	vadd.f32 v17, v21  }
0xa4: {  	v61 =	vld [tilespmem:s20+$0x20];
	s8 =	smul.f32 s16, s2;
	v14 =	vadd.f32 v40, v41;
	v8 =	vadd.f32 v62, v8  }
0xa5: {  	[tilespmem:$0x1FF00] =	vst v31;
	v31 =	vmov v44;
	s16 =	smul.f32 s6, s30;
	s0 =	ssub.f32 $1.500000000e+00, s0;
	v25 =	vadd.f32 v18, v22;
	v16 =	vadd.f32 v16, v10;
	v10 =	vld [tilespmem:s20+$0xFFFFFF00]  }
0xa6: {  	s13 =	ssub.f32 $1.500000000e+00, s1;
	s9 =	smul.f32 s9, s29;
	v11 =	vld [tilespmem:s20+$0x30];
	v13 =	vadd.f32 v9, v13;
	v17 =	vmul.f32 v55, v55;
	v44 =	vmul.f32 v59, v59;
	(xrf2) =	vadd.scan.msk.f32 $0xffff, v8  }
0xa7: {  	v3 =	vmovc v57;
	v57 =	vld [tilespmem:s20+$0x40];
	s6 =	ssub.f32 $1.500000000e+00, s8;
	s8 =	smul.f32 s11, s3;
	v43 =	vadd.f32 v59, v55;
	v8 =	vmul.f32 v50, v50;
	v19 =	vmul.f32 v52, v52  }
0xa8: {  	[tilespmem:$0x1FEE0] =	vst v28;
	v28 =	vmov v46;
	s4 =	ssub.f32 $1.500000000e+00, s4;
	s1 =	smul.f32 s0, s7;
	v9 =	vld [tilespmem:s20+$0x70];
	v46 =	vadd.f32 v60, v53;
	v18 =	vadd.f32 v52, v50  }
0xa9: {  	v24 =	vmul.f32 v60, v60;
	s11 =	smul.f32 s13, s12;
	v62 =	vld [tilespmem:s20+$0x50];
	v17 =	vadd.f32 v44, v17;
	v19 =	vadd.f32 v19, v8;
	v20, _, _ =	vpop (xrf2);
	(xrf2) =	vadd.scan.msk.f32 $0xffff, v25  }
0xaa: {  	[tilespmem:$0x1FEF0] =	vst v29;
	s5 =	ssub.f32 $1.500000000e+00, s16;
	s0 =	smul.f32 s4, s31;
	v26 =	vmul.f32 v53, v53;
	v8 =	vld [tilespmem:s20+$0x60];
	v18 =	vadd.f32 v43, v18;
	v1 =	vadd.f32 v42, v10  }
0xab: {  	v29 =	vmovc v30;
	v30 =	vmovc v45;
	v45 =	vld [tilespmem:s20+$0x90];
	s9 =	ssub.f32 $1.500000000e+00, s9;
	s2 =	smul.f32 s6, s2;
	v21 =	vmul.f32 v61, v61;
	(v2sf) =	vpush v20, $0xF;
	v20 =	vadd.f32 v11, v61  }
0xac: {  	s13 =	ssub.f32 $1.500000000e+00, s8;
	s31 =	smul.f32 s5, s30;
	v22 =	vmul.f32 v11, v11;
	v23 =	vadd.f32 v24, v26;
	v43 =	vld [tilespmem:s20+$0x80];
	v1 =	vadd.f32 v14, v1;
	v25, _, _ =	vpop (xrf2);
	(xrf2) =	vadd.scan.msk.f32 $0xffff, v18  }
0xad: {  	s30 =	smul.f32 s9, s29;
	v24 =	vmul.f32 v57, v57;
	v44 =	vld [tilespmem:s20+$0xA0];
	(v2sf) =	vpush v25, $0xF;
	v18 =	vadd.f32 v20, v46  }
0xae: {  	s29 =	smul.f32 s13, s3;
	v26 =	vmul.f32 v62, v62;
	v20 =	vadd.f32 v17, v19;
	v17 =	vadd.f32 v22, v21  }
0xaf: {  	s16 =	smul.f32 s1, s21;
	v25 =	vadd.f32 v62, v57;
	v19 =	vmul.f32 v8, v8;
	v46 =	vld [tilespmem:s20+$0xB0];
	v21 =	vadd.f32 v9, v8  }
0xb0: {  	s21 =	smul.f32 s11, s22;
	v22 =	vadd.f32 v26, v24;
	v24 =	vmul.f32 v9, v9;
	v27, _, _ =	vpop (xrf2);
	(xrf2) =	vadd.scan.msk.f32 $0xffff, v18;
	v18 =	vadd.f32 v17, v23  }
0xb1: {  	s22 =	smul.f32 s0, s25;
	v17 =	vmul.f32 v43, v43;
	v21 =	vadd.f32 v21, v25;
	v25 =	vmul.f32 v45, v45  }
0xb2: {  	s6 =	smul.f32 s2, s28;
	(v2sf) =	vpush v27, $0xF;
	v19 =	vadd.f32 v24, v19;
	v24 =	vmul.f32 v44, v44  }
0xb3: {  	s25 =	smul.f32 s31, s26;
	v23 =	vadd.f32 v45, v43;
	v17 =	vadd.f32 v25, v17;
	v26, _, _ =	vpop (xrf2)  }
0xb4: {  	s26 =	smul.f32 s30, s23;
	v25 =	vmul.f32 v46, v46;
	(v2sf) =	vpush v26, $0xF;
	v26 =	vadd.f32 v46, v44  }
0xb5: {  	s4 =	smul.f32 s21, s11;
	v19 =	vadd.f32 v19, v22;
	(xrf2) =	vadd.scan.msk.f32 $0xffff, v21  }
0xb6: {  	s13 =	smul.f32 s29, s24;
	v22 =	vadd.f32 v26, v23;
	v26 =	vadd.f32 v25, v24;
	v24, _, _ =	vpop (xrf2);
	(xrf2) =	vadd.scan.msk.f32 $0xffff, v1;
	v1 =	vld [tilespmem:$0x1FF70]  }
0xb7: {  	s3 =	smul.f32 s16, s1;
	s4 =	ssub.f32 $1.500000000e+00, s4  }
0xb8: {  	s7 =	smul.f32 s22, s0  }
0xb9: {  	s4 =	smul.f32 s4, s11  }
0xba: {  	s8 =	smul.f32 s6, s2  }
0xbb: {  	s9 =	smul.f32 s25, s31;
	v25, _, _ =	vpop (xrf2);
	(xrf2) =	vadd.scan.msk.f32 $0xffff, v22;
	v22 =	vmul.f32 s4, v1;
	v1 =	vld [tilespmem:$0x1FF80]  }
0xbc: {  	s22 =	smul.f32 s26, s30;
	s21 =	spop (v2sf)  }
0xbd: {  	v12 =	vmul.f32 v42, v42;
	v27 =	vmul.f32 v10, v10;
	s24 =	smul.f32 $1.562500000e-02, s21;
	s25 =	spop (v2sf)  }
0xbe: {  	s16 =	ssub.f32 $1.500000000e+00, s3;
	s26 =	smul.f32 $1.562500000e-02, s25  }
0xbf: {  	s3 =	ssub.f32 $1.500000000e+00, s8;
	v12 =	vadd.f32 v12, v27;
	(v2sf) =	vpush v24, $0xF;
	s8 =	smul.f32 s24, s24  }
0xc0: {  	s1 =	smul.f32 s16, s1;
	(v2sf) =	vpush v25, $0xF;
	v25 =	vmul.f32 s4, v1;
	v1 =	vld [tilespmem:$0x1FF90]  }
0xc1: {  	v12 =	vadd.f32 v15, v12;
	s16 =	spop (v2sf);
	s5 =	ssub.f32 s26, s8  }
0xc2: {  	s6 =	smul.f32 $1.562500000e-02, s16  }
0xc3: {  	v17 =	vadd.f32 v26, v17;
	v26, _, _ =	vpop (xrf2);
	(xrf2) =	vadd.scan.msk.f32 $0xffff, v12;
	v12 =	vmul.f32 s1, v32;
	s5 =	sadd.f32 $9.999999740e-06, s5  }
0xc4: {  	v32 =	vmul.f32 s1, v33;
	v33 =	vmul.f32 s1, v34;
	v34 =	vmov s6  }
0xc5: {  	(v2sf) =	vpush v26, $0xF;
	s11 =	smul.f32 $5.000000000e-01, s5;
	s26 =	spop (v2sf);
	v26 =	vmul.f32 s4, v1;
	v1 =	vsub.f32 v48, v34  }
0xc6: {  	(xrf2) =	vadd.scan.msk.f32 $0xffff, v13;
	v13 =	vmul.f32 s4, v2;
	v2 =	vsub.f32 v47, v34;
	s25 =	sshra.s32 s5, $0x1;
	s5 =	smul.f32 $1.562500000e-02, s26  }
0xc7: {  	[tilespmem:$0x1FF60] =	vst v1;
	v1 =	vld [tilespmem:$0x1FFC0]  }
0xc8: {  	[tilespmem:$0x1FF70] =	vst v2;
	v2 =	vsub.f32 v49, v34;
	v49 =	vmov s5  }
0xc9: {  	v24 =	vsub.f32 v63, v49;
	v63 =	vld [tilespmem:$0x1FFF0];
	_ =	sdelay $0x2  }
0xca: {  	s7 =	ssub.f32 $1.500000000e+00, s7;
	s13 =	smul.f32 s13, s29;
	v21 =	vmul.f32 s1, v35;
	[tilespmem:$0x1FF80] =	vst v2;
	v2 =	vsub.f32 v51, v34;
	v12 =	vmul.f32 v12, v1  }
0xcb: {  	_ = 	snop  }
0xcc: {  	s0 =	smul.f32 s7, s0;
	s21 =	ssub.f32 $1.500000000e+00, s13;
	[tilespmem:$0x1FF90] =	vst v2;
	v2 =	vld [tilespmem:$0x1FFD0];
	v14 =	vsub.f32 v56, v49;
	v15 =	vmul.f32 v21, v63;
	v21 =	vadd.f32 v12, v4  }
0xcd: {  	v35, _, _ =	vpop (xrf2);
	s8 =	ssub.s32 $0x5F3759DF, s25;
	s25 =	smul.f32 s5, s5;
	s13 =	spop (v2sf);
	v56 =	vld [tilespmem:$0x1FFE0]  }
0xce: {  	(v2sf) =	vpush v35, $0xF;
	v35 =	vmul.f32 s0, v0;
	s5 =	smul.f32 $1.562500000e-02, s13;
	v0 =	vmov v14;
	[tilespmem:s18+$0xFFFFFF00] =	vst v21;
	v21 =	vld [tilespmem:$0x1FFB0]  }
0xcf: {  	[tilespmem:$0x1FFB0] =	vst v0;
	v0 =	vld [tilespmem:$0x1FEA0]  }
0xd0: {  	s1 =	smul.f32 s6, s6;
	(xrf2) =	vadd.scan.msk.f32 $0xffff, v16;
	v16 =	vsub.f32 v54, v49;
	v54, _, _ =	vpop (xrf2);
	v51 =	vmov s5;
	s16 =	spop (v2sf)  }
0xd1: {  	(xrf2) =	vadd.scan.msk.f32 $0xffff, v20;
	(v2sf) =	vpush v54, $0xF;
	v20 =	vsub.f32 v50, v51;
	s6 =	smul.f32 $1.562500000e-02, s16  }
0xd2: {  	v23 =	vmul.f32 v33, v56;
	v47 =	vmul.f32 v22, v2;
	v22 =	vsub.f32 v52, v51  }
0xd3: {  	s12 =	smul.f32 s8, s11;
	v54 =	vld [tilespmem:$0x1FFA0];
	v33 =	vsub.f32 v59, v51;
	v34 =	vmov s6;
	v12 =	vmul.f32 v25, v56  }
0xd4: {  	v25 =	vsub.f32 v55, v51;
	v51 =	vsub.f32 v60, v34;
	v60 =	vmul.f32 s0, v0;
	v0 =	vld [tilespmem:$0x1FEB0]  }
0xd5: {  	s4 =	smul.f32 s8, s12;
	_ =	sdelay $0x1  }
0xd6: {  	s2 =	smul.f32 s3, s2;
	s4 =	ssub.f32 $1.500000000e+00, s4  }
0xd7: {  	v27 =	vmul.f32 v32, v2;
	v32 =	vsub.f32 v58, v49;
	v58, _, _ =	vpop (xrf2);
	(xrf2) =	vadd.scan.msk.f32 $0xffff, v18  }
0xd8: {  	s4 =	smul.f32 s8, s4;
	v18 =	vmul.f32 s0, v54;
	v54 =	vmul.f32 s2, v0;
	v0 =	vld [tilespmem:$0x1FEC0];
	_ =	sdelay $0x1  }
0xd9: {  	s26 =	smul.f32 s4, s11  }
0xda: {  	(v2sf) =	vpush v58, $0xF;
	v59, _, _ =	vpop (xrf2)  }
0xdb: {  	(v2sf) =	vpush v59, $0xF;
	s8 =	smul.f32 s26, s4  }
0xdc: {  	s23 =	ssub.f32 $1.500000000e+00, s9;
	s28 =	smul.f32 s5, s5;
	v58 =	vmovc v16;
	v52 =	vsub.f32 v11, v34;
	v11 =	vmul.f32 v60, v63;
	v60 =	vmul.f32 s2, v0;
	v0 =	vld [tilespmem:$0x1FED0]  }
0xdd: {  	v48 =	vmul.f32 v13, v1;
	s9 =	spop (v2sf);
	s5 =	ssub.f32 $1.500000000e+00, s8  }
0xde: {  	v49 =	vmul.f32 v26, v63;
	v13 =	vmul.f32 v35, v56;
	(xrf2) =	vadd.scan.msk.f32 $0xffff, v19;
	v50 =	vsub.f32 v53, v34;
	s7 =	smul.f32 $1.562500000e-02, s9;
	v16, _, _ =	vpop (xrf2)  }
0xdf: {  	[tilespmem:$0x1FFA0] =	vst v58;
	(v2sf) =	vpush v16, $0xF;
	v58 =	vmov v24;
	v24 =	vsub.f32 v61, v34;
	v34, _, _ =	vpop (xrf2);
	s4 =	smul.f32 s5, s4;
	s12 =	spop (v2sf)  }
0xe0: {  	(xrf2) =	vadd.scan.msk.f32 $0xffff, v17;
	v53 =	vadd.f32 v23, v6;
	v16 =	vmul.f32 v18, v1;
	(v2sf) =	vpush v34, $0xF;
	s5 =	smul.f32 $1.562500000e-02, s12;
	v35, _, _ =	vpop (xrf2)  }
0xe1: {  	v55 =	vmovc v32;
	v32 =	vmov s7;
	(v2sf) =	vpush v35, $0xF;
	v35 =	vmul.f32 s2, v0;
	v0 =	vld [tilespmem:$0x1FEE0]  }
0xe2: {  	v59 =	vmovc v20;
	v26 =	vsub.f32 v8, v32;
	v18 =	vsub.f32 v9, v32;
	v20 =	vmov s5  }
0xe3: {  	s13 =	smul.f32 s4, s11;
	v17 =	vmul.f32 v54, v1;
	v54 =	vmovc v33;
	v33 =	vsub.f32 v42, v20;
	v42 =	vmov s24  }
0xe4: {  	s22 =	ssub.f32 $1.500000000e+00, s22;
	v8 =	vadd.f32 v27, v5;
	s11 =	smul.f32 s23, s31;
	v36 =	vsub.f32 v36, v42  }
0xe5: {  	v27 =	vmul.f32 s2, v3;
	v38 =	vsub.f32 v38, v42;
	v23 =	vsub.f32 v37, v42  }
0xe6: {  	s12 =	smul.f32 s22, s30;
	v9 =	vmul.f32 v60, v56;
	v60 =	vsub.f32 v39, v42;
	v42 =	vmul.f32 s11, v0;
	v0 =	vld [tilespmem:$0x1FEF0]  }
0xe7: {  	v21 =	vmul.f32 s0, v21;
	s0 =	smul.f32 s6, s6;
	s16 =	spop (v2sf)  }
0xe8: {  	s6 =	smul.f32 $1.562500000e-02, s16  }
0xe9: {  	[tilespmem:s18+$0xFFFFFF10] =	vst v8;
	v8 =	vmul.f32 v27, v2;
	s3 =	smul.f32 s13, s4;
	v14 =	vmul.f32 v21, v2;
	v61, _, _ =	vpop (xrf2)  }
0xea: {  	s26 =	smul.f32 s7, s7;
	v21 =	vsub.f32 v62, v32;
	v27, _, _ =	vpop (xrf2);
	v62 =	vmov s6;
	s8 =	spop (v2sf);
	(v2sf) =	vpush v61, $0xF  }
0xeb: {  	s7 =	ssub.f32 $1.500000000e+00, s3;
	s9 =	spop (v2sf);
	(v2sf) =	vpush v27, $0xF;
	v27 =	vsub.f32 v44, v62;
	v44 =	vmovc v24;
	v24 =	vmul.f32 s12, v0;
	v0 =	vld [tilespmem:$0x1FF00]  }
0xec: {  	_ = 	snop  }
0xed: {  	s7 =	smul.f32 s7, s4  }
0xee: {  	v19 =	vsub.f32 v57, v32  }
0xef: {  	[tilespmem:s18+$0xFFFFFF20] =	vst v53;
	v53 =	vmovc v25;
	v32 =	vsub.f32 v10, v20;
	s4 =	smul.f32 $1.562500000e-02, s9;
	v25 =	vmul.f32 s7, v60;
	v10 =	vmul.f32 v35, v63  }
0xf0: {  	s5 =	smul.f32 s5, s5;
	s13 =	spop (v2sf);
	v35 =	vsub.f32 v40, v20;
	v40 =	vmul.f32 s11, v30;
	v30 =	vmovc v21;
	v21 =	vmul.f32 s12, v0;
	v0 =	vld [tilespmem:$0x1FF10]  }
0xf1: {  	s1 =	ssub.f32 s4, s1;
	s4 =	smul.f32 $1.562500000e-02, s13;
	v25 =	vmul.f32 v25, v63  }
0xf2: {  	s3 =	smul.f32 s6, s6  }
0xf3: {  	s23 =	spop (v2sf);
	s4 =	ssub.f32 s4, s25;
	v25 =	vadd.f32 v25, v7  }
0xf4: {  	v15 =	vadd.f32 v15, v7;
	s1 =	sadd.f32 $9.999999740e-06, s1;
	s2 =	smul.f32 $1.562500000e-02, s8  }
0xf5: {  	v12 =	vadd.f32 v12, v6;
	s25 =	smul.f32 $1.562500000e-02, s23;
	s4 =	sadd.f32 $9.999999740e-06, s4;
	[tilespmem:s20+$0xF0] =	vst v25;
	v25 =	vmul.f32 s12, v0;
	v0 =	vld [tilespmem:$0x1FF20]  }
0xf6: {  	[tilespmem:s18+$0xFFFFFF30] =	vst v15;
	v8 =	vadd.f32 v8, v5;
	v34 =	vsub.f32 v41, v20;
	s2 =	ssub.f32 s2, s5;
	s9 =	spop (v2sf)  }
0xf7: {  	[tilespmem:s18+$0xFFFFFF60] =	vst v12;
	v14 =	vadd.f32 v14, v5;
	v11 =	vadd.f32 v11, v7;
	s8 =	ssub.f32 s25, s28;
	s6 =	smul.f32 $1.562500000e-02, s9  }
0xf8: {  	v57 =	vmov v22;
	[tilespmem:s18+$0xFFFFFFD0] =	vst v8;
	s16 =	smul.f32 s21, s29;
	v22 =	vsub.f32 v46, v62;
	v61 =	vsub.f32 v45, v62;
	s2 =	sadd.f32 $9.999999740e-06, s2  }
0xf9: {  	[tilespmem:s18+$0xFFFFFF90] =	vst v14;
	v37 =	vmul.f32 s11, v28;
	v28 =	vmovc v52;
	v52 =	vadd.f32 v13, v6;
	v60 =	vadd.f32 v47, v5;
	s0 =	ssub.f32 s6, s0  }
0xfa: {  	[tilespmem:s18+$0xFFFFFFB0] =	vst v11;
	s24 =	sshra.s32 s1, $0x1;
	v20 =	vsub.f32 v43, v62;
	v62 =	vadd.f32 v48, v4;
	v48 =	vmovc v18;
	s25 =	smul.f32 $5.000000000e-01, s4;
	s13 =	spop (v2sf);
	v18 =	vmul.f32 s16, v0;
	v0 =	vld [tilespmem:$0x1FF30]  }
0xfb: {  	[tilespmem:s18+$0xFFFFFFA0] =	vst v52;
	v47 =	vmov v61;
	v61 =	vadd.f32 v49, v7;
	s22 =	sshra.s32 s2, $0x1;
	s23 =	sadd.f32 $9.999999740e-06, s0;
	s5 =	smul.f32 $1.562500000e-02, s13  }
0xfc: {  	[tilespmem:s18+$0xFFFFFF50] =	vst v60;
	s21 =	smul.f32 $5.000000000e-01, s2;
	s2 =	ssub.s32 $0x5F3759DF, s24;
	s29 =	ssub.s32 $0x5F3759DF, s22  }
0xfd: {  	v9 =	vadd.f32 v9, v6;
	[tilespmem:s18+$0xFFFFFF70] =	vst v61;
	s22 =	smul.f32 $5.000000000e-01, s1;
	s5 =	ssub.f32 s5, s26;
	s26 =	sshra.s32 s23, $0x1  }
0xfe: {  	v41 =	vmul.f32 s11, v31;
	v43 =	vmul.f32 s12, v29;
	[tilespmem:s18+$0xFFFFFF40] =	vst v62;
	v62 =	vadd.f32 v16, v4;
	s24 =	spop (v2sf);
	s1 =	ssub.s32 $0x5F3759DF, s26;
	s26 =	smul.f32 $5.000000000e-01, s23  }
0xff: {  	v31 =	vmovc v26;
	[tilespmem:s18+$0xFFFFFFE0] =	vst v9;
	v15 =	vmul.f32 v40, v2;
	v8 =	vadd.f32 v10, v7;
	s6 =	smul.f32 $1.562500000e-02, s24;
	s5 =	sadd.f32 $9.999999740e-06, s5;
	v26 =	vmul.f32 s16, v0;
	v0 =	vld [tilespmem:$0x1FF40]  }
0x100: {  	v39 =	vmovc v22;
	v22 =	vmul.f32 s7, v36;
	v49 =	vmul.f32 v41, v56;
	[tilespmem:s18+$0xFFFFFF80] =	vst v62;
	v62 =	vadd.f32 v17, v4;
	s13 =	smul.f32 s1, s26  }
0x101: {  	v46 =	vmov v50;
	v61 =	vmul.f32 v43, v2;
	v43 =	vadd.f32 v15, v5;
	[tilespmem:s18+$0xFFFFFFF0] =	vst v8;
	s23 =	smul.f32 $5.000000000e-01, s5  }
0x102: {  	v50 =	vmovc v27;
	v27 =	vmul.f32 s7, v38;
	v22 =	vmul.f32 v22, v1;
	v8 =	vadd.f32 v49, v6;
	[tilespmem:s18+$0xFFFFFFC0] =	vst v62;
	s9 =	sshra.s32 s5, $0x1;
	s5 =	smul.f32 s29, s21;
	s12 =	sadd.f32 $9.999999740e-06, s8  }
0x103: {  	v16 =	vmul.f32 v37, v1;
	v14 =	vadd.f32 v61, v5;
	[tilespmem:s18+$0x10] =	vst v43;
	s13 =	smul.f32 s1, s13;
	s8 =	ssub.f32 s6, s3  }
0x104: {  	v41 =	vmul.f32 v27, v2;
	v29 =	vmovc v19;
	v61 =	vadd.f32 v22, v4;
	[tilespmem:s18+$0x20] =	vst v8;
	s5 =	smul.f32 s29, s5;
	v19 =	vmul.f32 s16, v0;
	v0 =	vld [tilespmem:$0x1FF50]  }
0x105: {  	s11 =	sshra.s32 s4, $0x1;
	v60 =	vmul.f32 v42, v63;
	v42 =	vadd.f32 v16, v4;
	[tilespmem:s18+$0x50] =	vst v14;
	s6 =	smul.f32 s2, s22;
	s4 =	sadd.f32 $9.999999740e-06, s8  }
0x106: {  	v62 =	vadd.f32 v41, v5;
	[tilespmem:s20+$0xC0] =	vst v61;
	v24 =	vmul.f32 v24, v1;
	s28 =	smul.f32 $5.000000000e-01, s12  }
0x107: {  	s30 =	ssub.s32 $0x5F3759DF, s11;
	v13 =	vadd.f32 v60, v7;
	[tilespmem:s18+$0x0] =	vst v42;
	v21 =	vmul.f32 v21, v56;
	s11 =	sshra.s32 s4, $0x1;
	s24 =	smul.f32 $5.000000000e-01, s4  }
0x108: {  	v45 =	vmov v51;
	[tilespmem:s20+$0xD0] =	vst v62;
	v49 =	vadd.f32 v24, v4;
	s6 =	smul.f32 s2, s6;
	s11 =	ssub.s32 $0x5F3759DF, s11;
	v18 =	vmul.f32 v18, v1  }
0x109: {  	v51 =	vmovc v20;
	[tilespmem:s18+$0x30] =	vst v13;
	v52 =	vadd.f32 v21, v6;
	s8 =	smul.f32 s11, s24;
	v38 =	vmul.f32 v26, v2;
	v20 =	vmul.f32 s16, v0;
	s16 =	sshra.s32 s12, $0x1  }
0x10a: {  	v23 =	vmul.f32 s7, v23;
	[tilespmem:s18+$0x40] =	vst v49;
	v37 =	vmul.f32 v25, v63;
	v8 =	vadd.f32 v18, v4;
	s12 =	smul.f32 s30, s25;
	s0 =	ssub.s32 $0x5F3759DF, s16  }
0x10b: {  	s19 =	sadd.s32 $0x8, s19;
	s3 =	ssub.s32 $0x5F3759DF, s9;
	[tilespmem:s18+$0x60] =	vst v52;
	v11 =	vadd.f32 v38, v5;
	v19 =	vmul.f32 v19, v56;
	s9 =	smul.f32 s0, s28  }
0x10c: {  	p0 =	slt.u32 s19, $0x78;
	v23 =	vmul.f32 v23, v56;
	[tilespmem:s18+$0x80] =	vst v8;
	v56 =	vadd.f32 v37, v7;
	v40 =	vmul.f32 v20, v63;
	s4 =	smul.f32 s30, s12  }
.Ltmp0:
0x10d: {  	s7 =	ssub.f32 $1.500000000e+00, s5;
	[tilespmem:s18+$0x90] =	vst v11;
	v60 =	vadd.f32 v19, v6;
	(pc) =	sbr.rel @p0 .LBB2_3-.Ltmp0, $4  }
0x10e: {  	[tilespmem:s18+$0x70] =	vst v56;
	s16 =	smul.f32 s3, s23;
	s12 =	ssub.f32 $1.500000000e+00, s6;
	v12 =	vadd.f32 v40, v7  }
0x10f: {  	[tilespmem:s18+$0xA0] =	vst v60;
	v63 =	vadd.f32 v23, v6;
	s9 =	smul.f32 s0, s9;
	s31 =	ssub.f32 $1.500000000e+00, s4  }
0x110: {  	s4 =	smul.f32 s3, s16;
	s16 =	ssub.f32 $1.500000000e+00, s13;
	[tilespmem:s18+$0xB0] =	vst v12;
	s18 =	smov.u32 s20  }
0x111: {  	v2 =	vld [tilespmem:$0x1FF60];
	s13 =	smul.f32 s11, s8;
	s9 =	ssub.f32 $1.500000000e+00, s9;
	s20 =	sadd.s32 $0x200, s20;
	[tilespmem:s18+$0xE0] =	vst v63  }
0x112: {  	s5 =	smul.f32 s29, s7  }
0x113: {  	s2 =	smul.f32 s2, s12  }
0x114: {  	s6 =	smul.f32 s30, s31  }
0x115: {  	s4 =	ssub.f32 $1.500000000e+00, s4;
	s1 =	smul.f32 s1, s16  }
0x116: {  	s7 =	smul.f32 s0, s9  }
0x117: {  	s3 =	smul.f32 s3, s4  }
0x118: {  	s19 =	smul.f32 s5, s21  }
0x119: {  	s8 =	smul.f32 s2, s22  }
0x11a: {  	s13 =	ssub.f32 $1.500000000e+00, s13;
	s20 =	smul.f32 s6, s25  }
0x11b: {  	s12 =	smul.f32 s1, s26  }
0x11c: {  	s0 =	smul.f32 s11, s13  }
0x11d: {  	s29 =	smul.f32 s7, s28  }
0x11e: {  	s4 =	smul.f32 s19, s5  }
0x11f: {  	s8 =	smul.f32 s8, s2  }
0x120: {  	s9 =	smul.f32 s20, s6  }
0x121: {  	s13 =	smul.f32 s3, s23  }
0x122: {  	s31 =	smul.f32 s29, s7;
	s4 =	ssub.f32 $1.500000000e+00, s4  }
0x123: {  	s30 =	ssub.f32 $1.500000000e+00, s8;
	s8 =	smul.f32 s12, s1  }
0x124: {  	s19 =	smul.f32 s13, s3  }
0x125: {  	s9 =	ssub.f32 $1.500000000e+00, s9;
	s4 =	smul.f32 s4, s5  }
0x126: {  	s11 =	ssub.f32 $1.500000000e+00, s31;
	s5 =	smul.f32 s30, s2  }
0x127: {  	s6 =	smul.f32 s9, s6  }
0x128: {  	s7 =	smul.f32 s11, s7  }
0x129: {  	s16 =	smul.f32 s4, s21  }
0x12a: {  	s22 =	smul.f32 s5, s22  }
0x12b: {  	s20 =	ssub.f32 $1.500000000e+00, s8;
	s21 =	smul.f32 s16, s4  }
0x12c: {  	s30 =	ssub.f32 $1.500000000e+00, s19;
	s9 =	smul.f32 s22, s5  }
0x12d: {  	v0 =	vld [tilespmem:$0x1FFC0];
	s2 =	smul.f32 s20, s1;
	s29 =	ssub.f32 $1.500000000e+00, s21  }
0x12e: {  	v1 =	vld [tilespmem:$0x1FFD0];
	s8 =	ssub.f32 $1.500000000e+00, s9;
	s9 =	smul.f32 s6, s25  }
0x12f: {  	v3 =	vld [tilespmem:$0x1FF70];
	s4 =	smul.f32 s29, s4  }
0x130: {  	v20 =	vld [tilespmem:$0x1FFE0];
	s31 =	smul.f32 s30, s3  }
0x131: {  	s11 =	smul.f32 s9, s6;
	v8 =	vmul.f32 s4, v32  }
0x132: {  	s3 =	smul.f32 s8, s5;
	v9 =	vmul.f32 s4, v33  }
0x133: {  	v14 =	vld [tilespmem:$0x1FF80];
	v10 =	vmul.f32 s4, v34;
	s5 =	ssub.f32 $1.500000000e+00, s11;
	v8 =	vmul.f32 v8, v0  }
0x134: {  	s20 =	smul.f32 s2, s26;
	v13 =	vmul.f32 s3, v3;
	v3 =	vld [tilespmem:$0x1FFF0];
	v9 =	vmul.f32 v9, v1  }
0x135: {  	v10 =	vmul.f32 v10, v20;
	s5 =	smul.f32 s5, s6;
	v8 =	vadd.f32 v8, v4  }
0x136: {  	s6 =	smul.f32 s20, s2;
	v9 =	vadd.f32 v9, v5  }
0x137: {  	s12 =	smul.f32 s7, s28;
	v11 =	vmul.f32 s4, v35;
	[tilespmem:s18+$0xFFFFFF00] =	vst v8;
	v8 =	vadd.f32 v10, v6  }
0x138: {  	v12 =	vmul.f32 s3, v2;
	s22 =	ssub.f32 $1.500000000e+00, s6;
	v21 =	vld [tilespmem:$0x1FF90];
	[tilespmem:s18+$0xFFFFFF10] =	vst v9  }
0x139: {  	s8 =	smul.f32 s12, s7;
	v14 =	vmul.f32 s3, v14;
	v11 =	vmul.f32 v11, v3;
	v24 =	vld [tilespmem:$0x1FFA0];
	[tilespmem:s18+$0xFFFFFF20] =	vst v8  }
0x13a: {  	v13 =	vmul.f32 v13, v1;
	v32 =	vmul.f32 s5, v58;
	s2 =	smul.f32 s22, s2;
	v25 =	vld [tilespmem:$0x1FFB0]  }
0x13b: {  	s13 =	smul.f32 s0, s24;
	v12 =	vmul.f32 v12, v0;
	v23 =	vmul.f32 v14, v20;
	v22 =	vadd.f32 v11, v7  }
0x13c: {  	s19 =	ssub.f32 $1.500000000e+00, s8;
	v26 =	vadd.f32 v13, v5;
	v11 =	vmul.f32 v32, v3;
	v52 =	vmul.f32 s2, v28  }
0x13d: {  	s16 =	smul.f32 s13, s0;
	v27 =	vmul.f32 s5, v55;
	v8 =	vadd.f32 v12, v4;
	[tilespmem:s18+$0xFFFFFF30] =	vst v22;
	v10 =	vmul.f32 s3, v21  }
0x13e: {  	s4 =	smul.f32 s19, s7;
	[tilespmem:s18+$0xFFFFFF50] =	vst v26;
	v41 =	vadd.f32 v11, v7;
	v11 =	vmul.f32 v52, v3;
	v14 =	vmul.f32 s5, v24  }
0x13f: {  	[tilespmem:s18+$0xFFFFFF40] =	vst v8;
	v8 =	vadd.f32 v23, v6;
	s3 =	ssub.f32 $1.500000000e+00, s16;
	v12 =	vmul.f32 s5, v25;
	v10 =	vmul.f32 v10, v3  }
0x140: {  	s21 =	smul.f32 s31, s23;
	v40 =	vmul.f32 s4, v54;
	[tilespmem:s18+$0xFFFFFFB0] =	vst v41;
	v11 =	vadd.f32 v11, v7;
	v14 =	vmul.f32 v14, v0  }
0x141: {  	v35 =	vmul.f32 s4, v59;
	[tilespmem:s18+$0xFFFFFF60] =	vst v8;
	s0 =	smul.f32 s3, s0;
	v12 =	vmul.f32 v12, v1;
	v33 =	vadd.f32 v10, v7  }
0x142: {  	v36 =	vmul.f32 s4, v57;
	s5 =	smul.f32 s21, s31;
	[tilespmem:s18+$0x30] =	vst v11;
	v10 =	vmul.f32 v40, v3;
	v8 =	vadd.f32 v14, v4  }
0x143: {  	v38 =	vmul.f32 s4, v53;
	v34 =	vmul.f32 v27, v20;
	s25 =	smul.f32 s0, s24;
	[tilespmem:s18+$0xFFFFFF70] =	vst v33;
	v37 =	vadd.f32 v12, v5  }
0x144: {  	v49 =	vmul.f32 s2, v44;
	s23 =	ssub.f32 $1.500000000e+00, s5;
	v14 =	vmul.f32 v36, v1;
	v53 =	vadd.f32 v10, v7;
	[tilespmem:s18+$0xFFFFFF80] =	vst v8  }
0x145: {  	v13 =	vmul.f32 v35, v0;
	v43 =	vmul.f32 s2, v46;
	s26 =	smul.f32 s25, s0;
	v8 =	vadd.f32 v34, v6;
	[tilespmem:s18+$0xFFFFFF90] =	vst v37  }
0x146: {  	v45 =	vmul.f32 s2, v45;
	s1 =	smul.f32 s23, s31;
	v46 =	vadd.f32 v14, v5;
	v14 =	vmul.f32 v49, v20;
	[tilespmem:s18+$0xFFFFFFF0] =	vst v53  }
0x147: {  	v42 =	vmul.f32 v38, v20;
	s28 =	ssub.f32 $1.500000000e+00, s26;
	[tilespmem:s18+$0xFFFFFFA0] =	vst v8;
	v8 =	vadd.f32 v13, v4  }
0x148: {  	v54 =	vmul.f32 s1, v29;
	v13 =	vmul.f32 v45, v1;
	[tilespmem:s18+$0xFFFFFFD0] =	vst v46;
	v14 =	vadd.f32 v14, v6  }
0x149: {  	v12 =	vmul.f32 v43, v0;
	v56 =	vmul.f32 s1, v31;
	s0 =	smul.f32 s28, s0;
	[tilespmem:s18+$0xFFFFFFC0] =	vst v8;
	v8 =	vadd.f32 v42, v6  }
0x14a: {  	v55 =	vmul.f32 s1, v30;
	v10 =	vmul.f32 v54, v0;
	v13 =	vadd.f32 v13, v5;
	[tilespmem:s18+$0x20] =	vst v14  }
0x14b: {  	v9 =	vmul.f32 v56, v20;
	v57 =	vmul.f32 s0, v51;
	[tilespmem:s18+$0xFFFFFFE0] =	vst v8;
	v8 =	vadd.f32 v12, v4  }
0x14c: {  	v10 =	vadd.f32 v10, v4;
	v58 =	vmul.f32 s0, v47;
	v12 =	vmul.f32 v55, v1;
	[tilespmem:s18+$0x10] =	vst v13  }
0x14d: {  	v9 =	vadd.f32 v9, v6;
	v13 =	vmul.f32 v57, v0;
	[tilespmem:s18+$0x0] =	vst v8;
	v8 =	vmul.f32 s1, v48  }
0x14e: {  	[tilespmem:s18+$0x40] =	vst v10;
	v14 =	vmul.f32 v58, v1;
	v12 =	vadd.f32 v12, v5  }
0x14f: {  	[tilespmem:s18+$0x60] =	vst v9;
	v61 =	vadd.f32 v13, v4;
	v8 =	vmul.f32 v8, v3  }
0x150: {  	v60 =	vmul.f32 s0, v39;
	v63 =	vadd.f32 v14, v5;
	[tilespmem:s18+$0x50] =	vst v12  }
0x151: {  	v59 =	vmul.f32 s0, v50;
	[tilespmem:s18+$0x80] =	vst v61;
	v8 =	vadd.f32 v8, v7  }
0x152: {  	v62 =	vmul.f32 v60, v3;
	[tilespmem:s18+$0x90] =	vst v63  }
0x153: {  	v11 =	vmul.f32 v59, v20;
	[tilespmem:s18+$0x70] =	vst v8  }
0x154: {  	v9 =	vadd.f32 v62, v7;
	s29 =	rddreg [dreg:$0x7]  }
0x155: {  	v8 =	vadd.f32 v11, v6;
	s0 =	sadd.s32 s29, s17;
	s17 =	sadd.s32 $0x1, s17  }
0x156: {  	s30 =	rddreg [dreg:$0x3];
	[tilespmem:s18+$0xB0] =	vst v9;
	s0 =	sshll.u32 s0, $0xA;
	p0 =	sne.s32 s17, $0xC8  }
.Ltmp1:
0x157: {  	s31 =	simm.s32 $0x0;
	[tilespmem:s18+$0xA0] =	vst v8;
	s0 =	sadd.s32 s30, s0;
	(pc) =	sbr.rel @p0 .LBB2_2-.Ltmp1, $4  }
0x158: {  	[hbm4b:s0+s31] =	stream.linear.scatter [tilespmem:s14], [sflag:$0x2], $0x2000, $0x38;
	[tilespmem:$0x8480] =	vst v63  }
0x159: {  	_ =	swait.ge [sflag:s10], $0x2000  }
0x15a: {  	[sflag:s10] =	ssyncset.done $0x0  }
0x15b: {  	[sflag:s10] =	ssyncadd.s32 $0xFFFFE000  }
0x15c: {  	s1 =	rddreg [dreg:$0x9]  }
0x15d: {  	s0 =	rddreg [dreg:$0x8];
	s1 =	sadd.s32 $0x1, s1  }
0x15e: {  	p0 =	sne.s32 s1, s0  }
.Ltmp2:
0x15f: {  	_ = 	snop;
	(pc) =	sbr.rel @p0 .LBB2_1-.Ltmp2, $1  }
0x160: {  	_ =	sdelay $0x3  }
0x161: {  	_ =	sfence.sel $0x180000  }
0x162: {  	[bflag:$0x0] =	sbarrier.arrive $0xFFFF  }
0x163: {  	_ =	strace $0x90000047  }
0x164: {  	s0 =	stileid.u32;
	[bflag:$0x2] =	sbarrier.arrive $0xFFFF  }
0x165: {  	p0 =	sne.s32 s0, $0x0;
	s0 =	rddreg [dreg:$0x4]  }
0x166: {  	s0 =	sadd.s32 @!p0 $0x100000, s0  }
0x167: {  	[sflag:s0] =	ssyncadd.tile.s32 @!p0 $0x1;
	_ =	shalt  }
.Lfunc_end2:
_tile_overlayer_lowered:
.L_overlay_start_2:
0x168: {  	(tag) =	ssettag $0x2  }
0x169: {  	s0 =	rddreg [dreg:$0x0];
	s2 =	stileid.u32  }
0x16a: {  	s1 =	rddreg [dreg:$0x1];
	p0 =	sne.s32 s2, $0x0  }
0x16b: {  	s3 =	rddreg [dreg:$0x2];
	[bflag:$0x3] =	sbarrier.arrive $0xFFFF;
	s2 =	simm.s32 @!p0 $0x1C02  }
0x16c: {  	[timem:s3], [sflag:s2] =	dma.local @!p0 [hbm:s0], s1  }
0x16d: {  	s0 =	simm.s32 @!p0 $0x2  }
0x16e: {  	_ =	swait.ge @!p0 [sflag:s0], s1  }
0x16f: {  	s1 =	ssub.s32 @!p0 $0x0, s1;
	[sflag:s0] =	ssyncset.done @!p0 $0x0  }
0x170: {  	[sflag:s0] =	ssyncadd.s32 @!p0 s1  }
0x171: {  	[bflag:$0x3] =	sbarrier.arrive $0xFFFF  }
0x172: {  	_ =	shalt  }

// kernel: sparse-core-data-format-call.cloned.1.call-start
scs
called_computation_lowered:
.L_overlay_start_0:
0x0: {  	s2 =	sld [smem:$0x3FD9]  }
0x1: {  	s3 =	sld [smem:$0x3FFE];
	_ =	sdelay $0x1  }
0x2: {  	s1 =	srdreg.scid  }
0x3: {  	s0 =	sand.u32 $0x1, s1  }
0x4: {  	s18 =	sshll.u32 s0, $0xA;
	s2 =	sadd.s32 s3, s2  }
0x5: {  	s2 =	sadd.s32 s2, s18  }
0x6: {  	[smem:$0x3FC4] =	sst s2  }
0x7: {  	_ = 	snop  }
0x8: {  	s2 =	sld [smem:$0x3FD0];
	(tm) =	ssettm $0x1  }
0x9: {  	s19 =	sld [smem:$0x3FFB];
	_ =	sdelay $0x3  }
0xa: {  	_ =	strace s19  }
0xb: {  	s3 =	sld [smem:$0x3FFC];
	_ =	sdelay $0x3  }
0xc: {  	_ =	strace s3  }
0xd: {  	s3 =	sld [smem:$0x3FFD];
	_ =	sdelay $0x3  }
0xe: {  	_ =	strace s3  }
0xf: {  	_ =	strace $0x8FFFFFFF  }
0x10: {  	s20 =	sld [smem:$0x3FDB];
	_ =	sdelay $0x1  }
0x11: {  	s4 =	simm.s32 $_scs_section_size  }
0x12: {  	s5 =	simm.s32 $_size__tile_overlayer_lowered;
	s6 =	simm.s32 $_tile_overlayer_lowered  }
0x13: {  	s23 =	simm.s32 $0x1BFF;
	s22 =	sshll.u32 s6, $0x1;
	s3 =	sadd.s32 s4, s20  }
0x14: {  	s7 =	simm.s32 $0x0;
	s21 =	sshll.u32 s5, $0x1;
	s5 =	sadd.s32 s22, s3  }
0x15: {  	[timem:s7], [sflag:s23] =	dma.local [hbm:s5], s21  }
0x16: {  	_ =	swait.ge [sflag:s23], s21  }
0x17: {  	s4 =	ssub.s32 $0x0, s21;
	[sflag:s23] =	ssyncset.done $0x0  }
0x18: {  	[sflag:s23] =	ssyncadd.s32 s4;
	_ =	sdelay $0x1  }
0x19: {  	s24 =	simm.s32 $0x1B8B  }
0x1a: {  	_ =	swait.ge [sflag:s24], $0x1  }
0x1b: {  	[sflag:s24] =	ssyncset.done $0x0  }
0x1c: {  	s26 =	simm.s32 $0x1B8E;
	s25 =	sld [smem:$0x3FFE];
	[sflag:s24] =	ssyncadd.s32 $0xFFFFFFFF  }
0x1d: {  	s27 =	simm.s32 $execute0_lowered;
	[smem:$0x3FD2] =	sst s26  }
0x1e: {  	s5 =	sshll.u32 s27, $0x1;
	_ =	strace $0x80000049;
	[dreg:$0x1] =	wrdreg $0xFFFFFFFF  }
0x1f: {  	s28 =	simm.s32 $_size_execute0_lowered;
	s3 =	sadd.s32 s3, s5;
	[dreg:$0x0] =	wrdreg $0x0  }
0x20: {  	s5 =	sshll.u32 s28, $0x1;
	[dreg:$0x2] =	wrdreg s3  }
0x21: {  	[dreg:$0x3] =	wrdreg s5  }
0x22: {  	[dreg:$0x4] =	wrdreg $0xC0  }
0x23: {  	_ =	task [dreg:s7], $0x5FFFF  }
0x24: {  	[dreg:$0x1] =	wrdreg $0xFFFFFFFF  }
0x25: {  	[dreg:$0x0] =	wrdreg $0x60  }
0x26: {  	[dreg:$0x2] =	wrdreg s25  }
0x27: {  	[dreg:$0x3] =	wrdreg s2  }
0x28: {  	[dreg:$0x4] =	wrdreg $0x9  }
0x29: {  	_ =	task.clear_ibuf [dreg:s7], $0x5FFFF;
	_ =	strace $0x90000049  }
0x2a: {  	s29 =	simm.s32 $0x9;
	_ =	strace $0x8000004B  }
0x2b: {  	_ =	swait.ge [sflag:s29], $0x1  }
0x2c: {  	[sflag:s29] =	ssyncadd.s32 $0xFFFFFFFF  }
0x2d: {  	_ =	strace $0x9000004B  }
0x2e: {  	_ =	sfence  }
0x2f: {  	s30 =	sld [smem:$0x0];
	_ =	sdelay $0x2  }
0x30: {  	s31 =	sshll.u32 s1, $0xD;
	s1 =	sshrl.u32 s1, $0x2  }
0x31: {  	s3 =	sand.u32 $0x4000, s31;
	s1 =	sadd.s32 s1, s30  }
0x32: {  	s0 =	sor.u32 s3, s0;
	s1 =	sshll.u32 s1, $0x11  }
0x33: {  	s0 =	sor.u32 s1, s0  }
0x34: {  	s0 =	sadd.s32 $0x8F2B, s0  }
0x35: {  	[sflag:s0] =	ssyncadd.remote.s32 $0x1  }
0x36: {  	_ =	sfence.sel $0xFFFF  }
0x37: {  	[dreg:$0x0] =	wrdreg $0xFFFFFFFF;
	(pc) =	sbr.abs _section_cstart, $3  }
0x38: {  	[dreg:$0x1] =	wrdreg $0xFFFFFFFF  }
0x39: {  	_ =	task.clear_ibuf [dreg:s7], $0x2FFFF;
	_ =	strace $0x9FFFFFFF  }
0x3a: {  	(tm) =	ssettm $0x7FFFFFFF  }
0x3b: {  	_ =	shalt  }
tec
execute0_lowered:
.L_overlay_start_1:
0x0: {  	(tag) =	ssettag $0x1  }
0x1: {  	s0 =	srdreg.scid  }
0x2: {  	s1 =	sshll.u32 s0, $0x4  }
0x3: {  	s0 =	stileid.u32;
	s1 =	sand.u32 $0x10, s1  }
0x4: {  	s1 =	sor.u32 s0, s1  }
0x5: {  	s6 =	rddreg [dreg:$0x0];
	s4 =	simm.s32 $0x1;
	s2 =	sshll.u32 s1, $0x7  }
0x6: {  	s7 =	simm.s32 $0x2;
	s12 =	simm.s32 $0x0;
	s1 =	ssub.s32 $0x1000, s2  }
0x7: {  	s8 =	simm.s32 $0x8000;
	s13 =	simm.s32 $0x0;
	s3 =	sand.u32 $0xF80, s1  }
0x8: {  	s9 =	simm.s32 $0x0;
	s5 =	sshrl.u32 s1, $0xC;
	p0 =	sne.s32 s3, $0x0  }
.Ltmp0:
0x9: {  	s1 =	rddreg [dreg:$0x2];
	s4 =	simm.s32 @!p0 $0x0;
	(pc) =	sbr.rel .LBB1_1-.Ltmp0, $4  }
0xa: {  	s11 =	simm.s32 $0x0;
	s3 =	rddreg [dreg:$0x1];
	s5 =	sadd.s32 s4, s5  }
0xb: {  	_ =	strace $0x8000004A;
	s4 =	simm.s32 $0x1;
	s5 =	smul.u32 $0xC8, s5  }
0xc: {  	s6 =	sadd.s32 $0x800, s6;
	s10 =	smov.u32 s2;
	[sflag:s4] =	ssyncpa.u1 $0x0  }
0xd: {  	p0 =	por $0x0, $0x0;
	[sflag:s7] =	ssyncpa.u1 $0x0;
	s7 =	sor.u32 $0x1, s5  }
.LBB1_4:
0xe: {  	s16 =	sshll.u32 s13, $0x3;
	s17 =	sand.u32 $0x78, s13  }
0xf: {  	s30 =	sand.u32 $0x7E00, s13;
	s12 =	sshll.u32 s12, $0xF;
	s16 =	sand.u32 $0xC00, s16  }
0x10: {  	[tilespmem:s15+$0x810 ss:$0x81] =	vst.msk $0xffff, v2;
	s31 =	sand.u32 $0x7, s13;
	s16 =	sor.u32 s17, s16;
	s17 =	sadd.s32 s3, s30  }
0x11: {  	[tilespmem:s15+$0x1020 ss:$0x81] =	vst.msk $0xffff, v0;
	s13 =	sshll.u32 s31, $0x12;
	s12 =	sadd.s32 s12, s17;
	s16 =	sshrl.u32 s16, $0x3  }
0x12: {  	[tilespmem:s15+$0x0 ss:$0x81] =	vst.msk $0xffff, v1;
	s13 =	sor.u32 $0x400, s13;
	s12 =	sadd.s32 s16, s12  }
0x13: {  	[hbm4b:s12+s13] =	stream.strided.scatter [tilespmem:s14], [sflag:$0x2], $0x2000, s8, s13, $0x20;
	[tilespmem:$0x8080] =	vst v63  }
.LBB1_5:
0x14: {  	s14 =	sadd.s32 $0x1, s9  }
0x15: {  	s12 =	sadd.s32 $0x1000, s10;
	s16 =	smov.u32 s10;
	p2 =	sgt.s32 s14, $0xC7  }
0x16: {  	s16 =	smov.u32 @p2 s12  }
0x17: {  	s14 =	simm.s32 @p2 $0x0;
	p2 =	sgt.s32 s16, $0xFFF  }
0x18: {  	s16 =	smov.u32 @p2 s2;
	p2 =	sne.s32 s11, s7  }
.Ltmp1:
0x19: {  	p1 =	slt.u32 s11, $0x2;
	(pc) =	sbr.rel @!p2 .LBB1_6-.Ltmp1, $4  }
0x1a: {  	s15 =	simm.s32 @!p1 $0x2  }
0x1b: {  	s13 =	smov.u32 s10;
	p0 =	por !p0, !p0;
	_ =	swait.ge @!p1 [sflag:s15], $0x2000  }
0x1c: {  	s12 =	smov.u32 s9;
	[sflag:s15] =	ssyncset.done @!p1 $0x0;
	s9 =	smov.u32 s14  }
0x1d: {  	s11 =	sadd.s32 $0x1, s11;
	[sflag:s15] =	ssyncadd.s32 @!p1 $0xFFFFE000;
	s10 =	smov.u32 s16  }
.LBB1_1:
0x1e: {  	p1 =	sge.u32 s11, s5  }
0x1f: {  	s14 =	sand.u32 @!p1 $0x1FFFFFF, s9  }
0x20: {  	s15 =	smulhi.u32 @!p1 $0x147AE15, s14;
	_ =	sdelay $0x1  }
0x21: {  	s15 =	smul.u32 @!p1 $0xC8, s15  }
0x22: {  	s16 =	sxor.u32 @!p1 $0xFFFFFFFF, s11;
	s17 =	smul.u32 @!p1 $0xC80, s10  }
0x23: {  	s31 =	sadd.s32 $0xFFFFFFFF, s11;
	s16 =	sshll.u32 @!p1 s16, $0xD;
	s14 =	ssub.s32 @!p1 s14, s15  }
0x24: {  	s15 =	sand.u32 @!p1 $0x2000, s16;
	s16 =	sadd.s32 @!p1 s6, s17;
	s14 =	sshll.u32 @!p1 s14, $0x4  }
0x25: {  	s17 =	simm.s32 @!p1 $0x6400;
	s14 =	sadd.s32 @!p1 s14, s16;
	s16 =	simm.s32 @!p1 $0x40  }
0x26: {  	[tilespmem:s15], [sflag:$0x1] =	stream.strided.gather @!p1 [hbm4b:s14+s16], $0x2000, s17, s16, $0x38;
	[tilespmem:$0x8080] =	vst v63  }
0x27: {  	p1 =	sge.u32 s31, s5  }
.Ltmp2:
0x28: {  	_ = 	snop;
	(pc) =	sbr.rel @p1 .LBB1_5-.Ltmp2, $1  }
0x29: {  	_ =	sdelay $0x3  }
0x2a: {  	s14 =	simm.s32 $0x1  }
0x2b: {  	_ =	swait.ge [sflag:s4], $0x2000;
	s14 =	simm.s32 @!p0 $0x0  }
0x2c: {  	[sflag:s4] =	ssyncset.done $0x0;
	s15 =	sshll.u32 s14, $0xD  }
0x2d: {  	[sflag:s4] =	ssyncadd.s32 $0xFFFFE000;
	s18 =	sor.u32 $0x20, s15  }
0x2e: {  	s14 =	smul.u32 $0x8100, s14;
	v3 =	vld [tilespmem:s18+$0x10]  }
0x2f: {  	s30 =	sand.u32 $0x1, s11;
	v2 =	vld [tilespmem:s18+$0xFFFFFFF0]  }
0x30: {  	s15 =	smul.u32 $0x8100, s30;
	s14 =	sshrl.u32 s14, $0x2;
	v0 =	vld [tilespmem:s18+$0x0]  }
0x31: {  	v1 =	vld [tilespmem:s18+$0xFFFFFFE0];
	s16 =	sor.u32 $0x4000, s14  }
0x32: {  	s31 =	sshrl.u32 s15, $0x2;
	s15 =	sadd.s32 $0x0, s16  }
0x33: {  	s17 =	simm.s32 $0x4;
	s18 =	sadd.s32 $0x40, s18;
	s14 =	sor.u32 $0x4000, s31;
	[tilespmem:s15+$0x1830 ss:$0x81] =	vst.msk $0xffff, v3  }
.LBB1_3:
0x34: {  	v3 =	vld [tilespmem:s18+$0x10];
	p1 =	sne.s32 s17, $0x1FC;
	[tilespmem:s15+$0x810 ss:$0x81] =	vst.msk $0xffff, v2;
	s19 =	smov.u32 s17;
	s17 =	sadd.s32 $0x4, s17  }
.Ltmp3:
0x35: {  	v2 =	vld [tilespmem:s18+$0xFFFFFFF0];
	[tilespmem:s15+$0x1020 ss:$0x81] =	vst.msk $0xffff, v0;
	(pc) =	sbr.rel @p1 .LBB1_3-.Ltmp3, $4  }
0x36: {  	v0 =	vld [tilespmem:s18+$0x0];
	[tilespmem:s15+$0x0 ss:$0x81] =	vst.msk $0xffff, v1  }
0x37: {  	s15 =	sshra.s32 s19, $0x2;
	v1 =	vld [tilespmem:s18+$0xFFFFFFE0]  }
0x38: {  	s15 =	sadd.s32 s15, s16  }
0x39: {  	s18 =	sadd.s32 $0x40, s18;
	[tilespmem:s15+$0x1830 ss:$0x81] =	vst.msk $0xffff, v3  }
.Ltmp4:
0x3a: {  	_ = 	snop;
	(pc) =	sbr.rel .LBB1_4-.Ltmp4, $1  }
0x3b: {  	_ =	sdelay $0x3  }
.LBB1_6:
0x3c: {  	_ =	sfence.sel $0x180000  }
0x3d: {  	s2 =	simm.s32 $0x1;
	[bflag:$0x0] =	sbarrier.arrive $0xFFFF  }
0x3e: {  	s31 =	simm.s32 $0x2;
	[sflag:s2] =	ssyncpa.u1 $0x1  }
0x3f: {  	[sflag:s31] =	ssyncpa.u1 $0x1  }
0x40: {  	p0 =	sne.s32 s0, $0x0;
	_ =	strace $0x9000004A  }
0x41: {  	s0 =	sadd.s32 @!p0 $0x100000, s1;
	[bflag:$0x2] =	sbarrier.arrive $0xFFFF  }
0x42: {  	[sflag:s0] =	ssyncadd.tile.s32 @!p0 $0x1;
	_ =	shalt  }
.Lfunc_end1:
_tile_overlayer_lowered:
.L_overlay_start_2:
0x43: {  	(tag) =	ssettag $0x2  }
0x44: {  	s0 =	rddreg [dreg:$0x0];
	s2 =	stileid.u32  }
0x45: {  	s1 =	rddreg [dreg:$0x1];
	p0 =	sne.s32 s2, $0x0  }
0x46: {  	s3 =	rddreg [dreg:$0x2];
	[bflag:$0x3] =	sbarrier.arrive $0xFFFF;
	s2 =	simm.s32 @!p0 $0x1C01  }
0x47: {  	[timem:s3], [sflag:s2] =	dma.local @!p0 [hbm:s0], s1  }
0x48: {  	s0 =	simm.s32 @!p0 $0x1  }
0x49: {  	_ =	swait.ge @!p0 [sflag:s0], s1  }
0x4a: {  	s1 =	ssub.s32 @!p0 $0x0, s1;
	[sflag:s0] =	ssyncset.done @!p0 $0x0  }
0x4b: {  	[sflag:s0] =	ssyncadd.s32 @!p0 s1  }
0x4c: {  	[bflag:$0x3] =	sbarrier.arrive $0xFFFF  }
0x4d: {  	_ =	shalt  }

</sc_bundles>
